<compile_context>
chip_gen: v7x
topology: tpu7x:2x2x1
jax: 0.10.2.dev20260603
libtpu: 0.0.44.dev20260713+nightly
codegen_flags: <defaults>
</compile_context>

<pallas_src>
import functools

import jax
import jax.numpy as jnp
from jax import lax
from jax.experimental import pallas as pl
from jax.experimental.pallas import tpu as pltpu
from jax.experimental.pallas import tpu_sc as plsc

N = 4096
D = 256
H = 256
NTOT = N * N
KIDX = 15938354
BRANK = NTOT - KIDX
BRANK_F = float(BRANK)

NB = 32768
NBA = 32896
NROWS = NBA // 128
SHIFT1 = 15

NC = 2
NS = 16
NW = NC * NS
SLICE = 32768
UNROLL = 8

NDIAG = 8
NUPPER = 28
NBLK_SC = NDIAG + NUPPER
BLKE = 512 * 512
NSC = NBLK_SC * BLKE
CHUNK = NSC // NW
NSLICE = CHUNK // SLICE
DIAG_SLICES = NDIAG * BLKE // SLICE

RB = 512
NBLK = N // RB



def _make_hist(shift):
    mesh = plsc.VectorSubcoreMesh(
        core_axis_name="c", subcore_axis_name="s", num_cores=NC, num_subcores=NS
    )

    @functools.partial(
        pl.kernel,
        out_type=jax.ShapeDtypeStruct((NW, NBA), jnp.int32),
        mesh=mesh,
        compiler_params=pltpu.CompilerParams(needs_layout_passes=False),
        scratch_types=[
            pltpu.VMEM((NBA,), jnp.int32),
            pltpu.VMEM((SLICE,), jnp.int32),
            pltpu.VMEM((16,), jnp.int32),
        ],
    )
    def hist_k(sim_hbm, base_hbm, out_hbm, hist_v, buf_v, base_v):
        wid = lax.axis_index("s") * NC + lax.axis_index("c")

        @plsc.parallel_loop(0, NBA // 16, unroll=8)
        def _(i):
            hist_v[pl.ds(i * 16, 16)] = jnp.zeros((16,), jnp.int32)

        pltpu.sync_copy(base_hbm, base_v)
        base = base_v[...]
        chunk0 = wid * NSLICE

        def sbody(s, carry):
            g = chunk0 + s
            pltpu.sync_copy(sim_hbm.at[pl.ds(g * SLICE, SLICE)], buf_v)
            w = jnp.where(g < DIAG_SLICES, 1, 2).astype(jnp.int32)
            wvec = jnp.zeros((16,), jnp.int32) + w

            @plsc.parallel_loop(0, SLICE // 16, unroll=UNROLL)
            def _(i):
                bits = buf_v[pl.ds(i * 16, 16)]
                d = bits - base
                if shift:
                    d = d >> shift
                b = jnp.clip(d + 1, 0, NB + 1)
                plsc.addupdate_scatter(hist_v, [b], wvec)

            return carry

        lax.fori_loop(0, NSLICE, sbody, 0)
        pltpu.sync_copy(hist_v, out_hbm.at[wid])

    return hist_k


@functools.lru_cache(maxsize=None)
def _hist_fns():
    return _make_hist(SHIFT1), _make_hist(0)



def _make_pick(shift):
    def pick_body(hist_ref, base_ref, nb_ref, thr_ref):
        tot = hist_ref[0]
        for r in range(1, NW):
            tot = tot + hist_ref[r]
        tot = tot.astype(jnp.float32)

        li = lax.broadcasted_iota(jnp.int32, (128, 128), 0)
        lj = lax.broadcasted_iota(jnp.int32, (128, 128), 1)
        ltri = (li >= lj).astype(jnp.float32)
        sfx_lane = jnp.dot(tot, ltri, preferred_element_type=jnp.float32)

        ri = lax.broadcasted_iota(jnp.int32, (NROWS, NROWS), 0)
        rj = lax.broadcasted_iota(jnp.int32, (NROWS, NROWS), 1)
        sutri = (rj > ri).astype(jnp.float32)
        rows_after = jnp.sum(
            jnp.dot(sutri, tot, preferred_element_type=jnp.float32),
            axis=1, keepdims=True,
        )
        sfx = sfx_lane + rows_after

        jr = lax.broadcasted_iota(jnp.int32, (NROWS, 128), 0)
        jc = lax.broadcasted_iota(jnp.int32, (NROWS, 128), 1)
        jf = (jr * 128 + jc).astype(jnp.float32)
        best = jnp.max(jnp.where(sfx >= BRANK_F, jf, -1.0))
        jstar = best.astype(jnp.int32)

        base0 = base_ref[0]
        newbase = base0 + ((jstar - 1) << shift) if shift else base0 + (jstar - 1)
        nb_ref[...] = jnp.full((16,), newbase, jnp.int32)
        thr_ref[...] = jnp.full((1, 128), newbase, jnp.int32)

    def pick(hists, base16):
        return pl.pallas_call(
            pick_body,
            grid=(),
            in_specs=[
                pl.BlockSpec((NW, NROWS, 128), lambda: (0, 0, 0)),
                pl.BlockSpec((16,), lambda: (0,)),
            ],
            out_specs=[
                pl.BlockSpec((16,), lambda: (0,)),
                pl.BlockSpec((1, 128), lambda: (0, 0)),
            ],
            out_shape=[
                jax.ShapeDtypeStruct((16,), jnp.int32),
                jax.ShapeDtypeStruct((1, 128), jnp.int32),
            ],
        )(hists.reshape(NW, NROWS, 128), base16)

    return pick


_pick_p1 = _make_pick(SHIFT1)
_pick_p2 = _make_pick(0)



def _dot_t(a, b):
    return lax.dot_general(a, b, (((1,), (1,)), ((), ())),
                           preferred_element_type=jnp.float32)


def _xn_body(x_ref, o_ref):
    x = x_ref[...]
    nrm = jnp.maximum(jnp.sqrt(jnp.sum(x * x, axis=1, keepdims=True)), 1e-8)
    o_ref[...] = x / nrm


def _sim_body(xa_ref, xb_ref, o_ref, u_ref):
    bits = lax.bitcast_convert_type(
        jnp.abs(_dot_t(xa_ref[...], xb_ref[...])), jnp.int32)
    o_ref[...] = bits
    u_ref[0] = bits


def _upper_slot(i, j):
    off = NDIAG + 7 * i - (i * (i - 1)) // 2 + (j - i - 1)
    return jnp.where(j > i, off, jnp.where(j == i, i, NBLK_SC))


def _pack_body(s_ref, thr_ref, a_ref, cnt_ref):
    t = thr_ref[0, 0]
    m = s_ref[...] >= t
    a_ref[...] = m.astype(jnp.int8)
    cnt_ref[...] = jnp.maximum(
        jnp.sum(m.astype(jnp.float32), axis=1, keepdims=True), 1.0)


def _inproj_body(x_ref, w_ref, o_ref):
    o_ref[...] = jnp.maximum(_dot_t(x_ref[...], w_ref[...]), 0.0)


def _stats_body(h_ref, m_ref, r_ref):
    h = h_ref[...]
    m = jnp.mean(h, axis=0, keepdims=True)
    v = jnp.mean((h - m) * (h - m), axis=0, keepdims=True)
    m_ref[...] = m
    r_ref[...] = 1.0 / jnp.sqrt(v + 1e-5)


def _bn_body(h_ref, m_ref, r_ref, g_ref, b_ref, o_ref):
    o_ref[...] = g_ref[...] * (h_ref[...] - m_ref[...]) * r_ref[...] + b_ref[...]


def _make_conv_big(mode):
    def body(*refs):
        if mode == "res_relu":
            (a_ref, tj_ref, ti_ref, cnt_ref, wl_ref, bl_ref, wr_ref,
             res_ref, o_ref) = refs
        else:
            a_ref, tj_ref, ti_ref, cnt_ref, wl_ref, bl_ref, wr_ref, o_ref = refs
        j = pl.program_id(1)
        part = jnp.dot(a_ref[...].astype(jnp.float32), tj_ref[...],
                       preferred_element_type=jnp.float32)

        @pl.when(j == 0)
        def _():
            o_ref[...] = part

        @pl.when(j > 0)
        def _():
            o_ref[...] = o_ref[...] + part

        @pl.when(j == NBLK - 1)
        def _():
            mean = o_ref[...] / cnt_ref[...]
            y = (_dot_t(mean, wl_ref[...]) + bl_ref[...]
                 + _dot_t(ti_ref[...], wr_ref[...]))
            if mode == "res_relu":
                y = jnp.maximum(y + res_ref[...], 0.0)
            else:
                y = jnp.maximum(y, 0.0)
            o_ref[...] = y

    return body


_conv_relu_body = _make_conv_big("relu")
_conv_res_body = _make_conv_big("res_relu")


def _head_body(t2_ref, h2_ref, wz_ref, ww_ref, wsc_ref, z_ref, w_ref, r_ref):
    z_ref[...] = _dot_t(t2_ref[...], wz_ref[...])
    w_ref[...] = _dot_t(t2_ref[...], ww_ref[...])
    r_ref[...] = _dot_t(h2_ref[...], wsc_ref[...])


def _cs1_body(a_ref, zj_ref, cnt_ref, bl_ref, wi_ref, o_ref):
    j = pl.program_id(1)
    part = jnp.dot(a_ref[...].astype(jnp.float32), zj_ref[...],
                   preferred_element_type=jnp.float32)

    @pl.when(j == 0)
    def _():
        o_ref[...] = part

    @pl.when(j > 0)
    def _():
        o_ref[...] = o_ref[...] + part

    @pl.when(j == NBLK - 1)
    def _():
        o_ref[...] = jnp.maximum(
            o_ref[...] / cnt_ref[...] + bl_ref[...] + wi_ref[...], 0.0)


def _cs2_body(a_ref, yj_ref, cnt_ref, yi_ref, rsc_ref, wl2_ref, bl2_ref,
              wr2_ref, scb_ref, o_ref):
    j = pl.program_id(1)
    part = jnp.dot(a_ref[...].astype(jnp.float32), yj_ref[...],
                   preferred_element_type=jnp.float32)

    @pl.when(j == 0)
    def _():
        o_ref[...] = part

    @pl.when(j > 0)
    def _():
        o_ref[...] = o_ref[...] + part

    @pl.when(j == NBLK - 1)
    def _():
        y = (o_ref[...] / cnt_ref[...] * wl2_ref[...] + bl2_ref[...]
             + yi_ref[...] * wr2_ref[...] + rsc_ref[...] + scb_ref[...])
        o_ref[...] = 1.0 / (1.0 + jnp.exp(-y))


def _bs_rows(shape):
    return pl.BlockSpec(shape, lambda i: (i, 0))


def _bs_full(shape):
    nd = len(shape)
    return pl.BlockSpec(shape, lambda i: (0,) * nd)


def _conv_specs(feat):
    return dict(
        a=pl.BlockSpec((RB, RB), lambda i, j: (i, j)),
        opj=pl.BlockSpec((RB, feat), lambda i, j: (j, 0)),
        opi=pl.BlockSpec((RB, feat), lambda i, j: (i, 0)),
        cnt=pl.BlockSpec((RB, 1), lambda i, j: (i, 0)),
        row1=pl.BlockSpec((1, feat), lambda i, j: (0, 0)),
        w=pl.BlockSpec((feat, feat), lambda i, j: (0, 0)),
        out=pl.BlockSpec((RB, feat), lambda i, j: (i, 0)),
    )



def kernel(x, W_in, bn1_gamma, bn1_beta, h_s1_Wl, h_s1_bl, h_s1_Wr,
           h_s2_Wl, h_s2_bl, h_s2_Wr, bn2_gamma, bn2_beta,
           o_s1_Wl, o_s1_bl, o_s1_Wr, o_s2_Wl, o_s2_bl, o_s2_Wr,
           o_sc_W, o_sc_b):
    f32 = jnp.float32

    xn = pl.pallas_call(
        _xn_body, grid=(NBLK,),
        in_specs=[_bs_rows((RB, D))], out_specs=_bs_rows((RB, D)),
        out_shape=jax.ShapeDtypeStruct((N, D), f32),
    )(x)

    sim = pl.pallas_call(
        _sim_body, grid=(NBLK, NBLK),
        in_specs=[
            pl.BlockSpec((RB, D), lambda i, j: (i, 0)),
            pl.BlockSpec((RB, D), lambda i, j: (j, 0)),
        ],
        out_specs=[
            pl.BlockSpec((RB, RB), lambda i, j: (i, j)),
            pl.BlockSpec((1, RB, RB), lambda i, j: (_upper_slot(i, j), 0, 0)),
        ],
        out_shape=[
            jax.ShapeDtypeStruct((N, N), jnp.int32),
            jax.ShapeDtypeStruct((NBLK_SC + 1, RB, RB), jnp.int32),
        ],
    )(xn, xn)
    sim, upper = sim

    ubits = upper.reshape((NBLK_SC + 1) * BLKE)
    hist_p1, hist_p2 = _hist_fns()
    zeros16 = jnp.zeros((16,), jnp.int32)
    h1 = hist_p1(ubits, zeros16)
    nb1, _ = _pick_p1(h1, zeros16)
    h2 = hist_p2(ubits, nb1)
    _, thr = _pick_p2(h2, nb1)

    adj8, cnt = pl.pallas_call(
        _pack_body, grid=(NBLK,),
        in_specs=[_bs_rows((RB, N)), _bs_full((1, 128))],
        out_specs=[_bs_rows((RB, N)), _bs_rows((RB, 1))],
        out_shape=[
            jax.ShapeDtypeStruct((N, N), jnp.int8),
            jax.ShapeDtypeStruct((N, 1), f32),
        ],
    )(sim, thr)

    h = pl.pallas_call(
        _inproj_body, grid=(NBLK,),
        in_specs=[_bs_rows((RB, D)), _bs_full((H, D))],
        out_specs=_bs_rows((RB, H)),
        out_shape=jax.ShapeDtypeStruct((N, H), f32),
    )(x, W_in)

    def stats(arr):
        return pl.pallas_call(
            _stats_body, grid=(),
            in_specs=[pl.BlockSpec((N, H), lambda: (0, 0))],
            out_specs=[pl.BlockSpec((1, H), lambda: (0, 0))] * 2,
            out_shape=[jax.ShapeDtypeStruct((1, H), f32)] * 2,
        )(arr)

    def bn_apply(arr, m, r, g, b):
        return pl.pallas_call(
            _bn_body, grid=(NBLK,),
            in_specs=[_bs_rows((RB, H))] + [_bs_full((1, H))] * 4,
            out_specs=_bs_rows((RB, H)),
            out_shape=jax.ShapeDtypeStruct((N, H), f32),
        )(arr, m, r, g, b)

    m1, r1 = stats(h)
    t1 = bn_apply(h, m1, r1, bn1_gamma.reshape(1, H), bn1_beta.reshape(1, H))

    sp = _conv_specs(H)
    y1 = pl.pallas_call(
        _conv_relu_body, grid=(NBLK, NBLK),
        in_specs=[sp["a"], sp["opj"], sp["opi"], sp["cnt"], sp["w"],
                  sp["row1"], sp["w"]],
        out_specs=sp["out"],
        out_shape=jax.ShapeDtypeStruct((N, H), f32),
    )(adj8, t1, t1, cnt, h_s1_Wl, h_s1_bl.reshape(1, H), h_s1_Wr)

    h2v = pl.pallas_call(
        _conv_res_body, grid=(NBLK, NBLK),
        in_specs=[sp["a"], sp["opj"], sp["opi"], sp["cnt"], sp["w"],
                  sp["row1"], sp["w"], sp["opi"]],
        out_specs=sp["out"],
        out_shape=jax.ShapeDtypeStruct((N, H), f32),
    )(adj8, y1, y1, cnt, h_s2_Wl, h_s2_bl.reshape(1, H), h_s2_Wr, h)

    m2, r2 = stats(h2v)
    t2 = bn_apply(h2v, m2, r2, bn2_gamma.reshape(1, H), bn2_beta.reshape(1, H))

    wz = jnp.broadcast_to(o_s1_Wl, (128, H))
    ww = jnp.broadcast_to(o_s1_Wr, (128, H))
    wsc = jnp.broadcast_to(o_sc_W, (128, H))
    zf, wf, rf = pl.pallas_call(
        _head_body, grid=(NBLK,),
        in_specs=[_bs_rows((RB, H)), _bs_rows((RB, H))] + [_bs_full((128, H))] * 3,
        out_specs=[_bs_rows((RB, 128))] * 3,
        out_shape=[jax.ShapeDtypeStruct((N, 128), f32)] * 3,
    )(t2, h2v, wz, ww, wsc)

    sp1 = _conv_specs(128)
    bl1b = jnp.broadcast_to(o_s1_bl.reshape(1, 1), (1, 128))
    y3 = pl.pallas_call(
        _cs1_body, grid=(NBLK, NBLK),
        in_specs=[sp1["a"], sp1["opj"], sp1["cnt"], sp1["row1"], sp1["opi"]],
        out_specs=sp1["out"],
        out_shape=jax.ShapeDtypeStruct((N, 128), f32),
    )(adj8, zf, cnt, bl1b, wf)

    wl2b = jnp.broadcast_to(o_s2_Wl.reshape(1, 1), (1, 128))
    bl2b = jnp.broadcast_to(o_s2_bl.reshape(1, 1), (1, 128))
    wr2b = jnp.broadcast_to(o_s2_Wr.reshape(1, 1), (1, 128))
    scbb = jnp.broadcast_to(o_sc_b.reshape(1, 1), (1, 128))
    outf = pl.pallas_call(
        _cs2_body, grid=(NBLK, NBLK),
        in_specs=[sp1["a"], sp1["opj"], sp1["cnt"], sp1["opi"], sp1["opi"],
                  sp1["row1"], sp1["row1"], sp1["row1"], sp1["row1"]],
        out_specs=sp1["out"],
        out_shape=jax.ShapeDtypeStruct((N, 128), f32),
    )(adj8, y3, cnt, y3, rf, wl2b, bl2b, wr2b, scbb)

    return outf[:, 0]

# --- scband reference (transcript-rebuilt; emitter-appended) ---
"""Pipeline reference for scband-graph-selector-82076825026576 (READ-ONLY COPY).

The authoritative reference and input builder live on the scoring server;
editing this copy changes nothing except your own understanding.
"""

import jax, jax.numpy as jnp
import numpy as np

N = 4096
D = 256
H = 256
OUT = 1
ALPHA = 0.95


def _lin(k, out_d, in_d):
    s = 1.0 / np.sqrt(in_d)
    return jax.random.uniform(k, (out_d, in_d), minval=-s, maxval=s, dtype=jnp.float32)


def setup_inputs(seed: int = 0):
    key = jax.random.key(seed)
    ks = jax.random.split(key, 12)
    inp = {}
    inp['x'] = jax.random.normal(ks[0], (N, D), dtype=jnp.float32)
    inp['W_in'] = _lin(ks[1], H, D)
    inp['bn1_gamma'] = jnp.ones((H,), jnp.float32)
    inp['bn1_beta'] = jnp.zeros((H,), jnp.float32)
    inp['h_s1_Wl'] = _lin(ks[2], H, H)
    inp['h_s1_bl'] = jnp.zeros((H,), jnp.float32)
    inp['h_s1_Wr'] = _lin(ks[3], H, H)
    inp['h_s2_Wl'] = _lin(ks[4], H, H)
    inp['h_s2_bl'] = jnp.zeros((H,), jnp.float32)
    inp['h_s2_Wr'] = _lin(ks[5], H, H)
    inp['bn2_gamma'] = jnp.ones((H,), jnp.float32)
    inp['bn2_beta'] = jnp.zeros((H,), jnp.float32)
    inp['o_s1_Wl'] = _lin(ks[6], OUT, H)
    inp['o_s1_bl'] = jnp.zeros((OUT,), jnp.float32)
    inp['o_s1_Wr'] = _lin(ks[7], OUT, H)
    inp['o_s2_Wl'] = _lin(ks[8], OUT, OUT)
    inp['o_s2_bl'] = jnp.zeros((OUT,), jnp.float32)
    inp['o_s2_Wr'] = _lin(ks[9], OUT, OUT)
    inp['o_sc_W'] = _lin(ks[10], OUT, H)
    inp['o_sc_b'] = jnp.zeros((OUT,), jnp.float32)
    return inp


def _batch_norm(x, g, b, eps=1e-5):
    m = jnp.mean(x, axis=0)
    v = jnp.var(x, axis=0)
    return g * (x - m) / jnp.sqrt(v + eps) + b


def _sage_conv(x, adj, Wl, bl, Wr):
    a = adj.astype(x.dtype)
    s = a.T @ x
    cnt = jnp.sum(a, axis=0)
    mean = s / jnp.clip(cnt, 1.0, None)[:, None]
    return mean @ Wl.T + bl + x @ Wr.T


def create_edge_index(x):
    nrm = jnp.maximum(jnp.linalg.norm(x, axis=-1, keepdims=True), 1e-8)
    xn = x / nrm
    sim = jnp.abs(xn @ xn.T)
    sim_sorted = jnp.sort(sim.reshape(-1))
    eps_q = jnp.quantile(sim_sorted, ALPHA, method='nearest')
    return sim >= eps_q


def reference(x, W_in, bn1_gamma, bn1_beta, h_s1_Wl, h_s1_bl, h_s1_Wr, h_s2_Wl, h_s2_bl, h_s2_Wr, bn2_gamma, bn2_beta, o_s1_Wl, o_s1_bl, o_s1_Wr, o_s2_Wl, o_s2_bl, o_s2_Wr, o_sc_W, o_sc_b):
    adj = create_edge_index(x)
    h = jax.nn.relu(x @ W_in.T)
    res = h
    t = _batch_norm(h, bn1_gamma, bn1_beta)
    t = jax.nn.relu(_sage_conv(t, adj, h_s1_Wl, h_s1_bl, h_s1_Wr))
    t = _sage_conv(t, adj, h_s2_Wl, h_s2_bl, h_s2_Wr)
    h = jax.nn.relu(t + res)
    # dropout is a no-op: F.dropout(training=not self.training) with module in train mode
    res = h
    t = _batch_norm(h, bn2_gamma, bn2_beta)
    t = jax.nn.relu(_sage_conv(t, adj, o_s1_Wl, o_s1_bl, o_s1_Wr))
    t = _sage_conv(t, adj, o_s2_Wl, o_s2_bl, o_s2_Wr)
    out = jax.nn.sigmoid(t + res @ o_sc_W.T + o_sc_b)
    return out.squeeze(1)

if __name__ == "__main__":
    import jax
    _d = setup_inputs()
    print(jax.jit(kernel)(*tuple(_d.values())))

</pallas_src>

<mosaic_0001>
#map = affine_map<(d0, d1) -> (0)>
#map1 = affine_map<(d0, d1) -> (0, 0)>
module attributes {stable_mosaic.version = 14 : i64} {
  func.func @hist_k(%arg0: i32, %arg1: i32, %arg2: memref<9699328xi32, #tpu.memory_space<hbm>>, %arg3: memref<16xi32, #tpu.memory_space<hbm>>, %arg4: memref<32x32896xi32, #tpu.memory_space<hbm>>, %arg5: memref<32896xi32, #tpu.memory_space<vmem>>, %arg6: memref<32768xi32, #tpu.memory_space<vmem>>, %arg7: memref<16xi32, #tpu.memory_space<vmem>>) attributes {dimension_semantics = [#tpu.dimension_semantics<core_parallel>, #tpu.dimension_semantics<subcore_parallel>], iteration_bounds = array<i64: 2, 16>, scalar_prefetch = 0 : i64, scratch_operands = 3 : i64, tpu.core_type = #tpu.core_type<sc_vector_subcore>, window_params = [{transform_indices = #map}, {transform_indices = #map}, {transform_indices = #map1}]} {
    %mul3A = arith.constant 2 : i32
    %mul3A_0 = arith.muli %arg1, %mul3A : i32
    %add3A = arith.addi %mul3A_0, %arg0 : i32
    %parallel_loop3A = arith.constant 0 : i32
    %parallel_loop3A_1 = arith.constant 2056 : i32
    %parallel_loop3A_2 = arith.constant 1 : i32
    scf.for %parallel_loop3A_11 = %parallel_loop3A to %parallel_loop3A_1 step %parallel_loop3A_2  : i32 {
      %parallel_loop3A_12 = arith.constant 0 : i32
      %parallel_loop3A_13 = vector.broadcast %parallel_loop3A_12 : i32 to vector<16xi32>
      %parallel_loop3A_14 = arith.constant 16 : i32
      %parallel_loop3A_15 = arith.muli %parallel_loop3A_11, %parallel_loop3A_14 : i32
      %parallel_loop3A_16 = arith.index_cast %parallel_loop3A_15 : i32 to index
      %parallel_loop3A_17 = tpu.vector_load %arg5[%parallel_loop3A_16] {strides = array<i32>} : memref<32896xi32, #tpu.memory_space<vmem>>, vector<16xi32>,
      tpu.vector_store %arg5[%parallel_loop3A_16], %parallel_loop3A_13 {strides = array<i32>} : memref<32896xi32, #tpu.memory_space<vmem>>, vector<16xi32>,
    } {sc.loop_unroll_factor = 8 : i64, sc.parallel_access}
    "tpu.region"() ({
      %run_scoped3A = tpu.sem_alloc : memref<!tpu.dma_semaphore, #tpu.memory_space<semaphore_mem>>
      tpu.enqueue_dma source(%arg3 : memref<16xi32, #tpu.memory_space<hbm>>) target(%arg7 : memref<16xi32, #tpu.memory_space<vmem>>) target_semaphore(%run_scoped3A : memref<!tpu.dma_semaphore, #tpu.memory_space<semaphore_mem>>)
      tpu.wait_dma2 semaphore(%run_scoped3A : memref<!tpu.dma_semaphore, #tpu.memory_space<semaphore_mem>>) src(%arg3 : memref<16xi32, #tpu.memory_space<hbm>>) dst(%arg7 : memref<16xi32, #tpu.memory_space<vmem>>)
      tpu.yield
    }) : () -> ()
    %get3A = arith.constant 0 : index
    %get3A_3 = tpu.vector_load %arg7[%get3A] {strides = array<i32>} : memref<16xi32, #tpu.memory_space<vmem>>, vector<16xi32>,
    %mul3A_4 = arith.constant 9 : i32
    %mul3A_5 = arith.muli %add3A, %mul3A_4 : i32
    %scan3A = arith.constant 0 : i32
    %scan3A_6 = arith.constant 0 : i32
    %scan3A_7 = arith.constant 9 : i32
    %scan3A_8 = arith.addi %scan3A_6, %scan3A_7 : i32
    %scan3A_9 = arith.constant 1 : i32
    scf.for %scan3A_11 = %scan3A_6 to %scan3A_8 step %scan3A_9  : i32 {
      %add3A_12 = arith.addi %mul3A_5, %scan3A_11 : i32
      %mul3A_13 = arith.constant 32768 : i32
      %mul3A_14 = arith.muli %add3A_12, %mul3A_13 : i32
      "tpu.region"() ({
        %run_scoped3A = tpu.sem_alloc : memref<!tpu.dma_semaphore, #tpu.memory_space<semaphore_mem>>
        %dma_start3A = tpu.memref_slice %arg2[%mul3A_14] : memref<9699328xi32, #tpu.memory_space<hbm>> -> memref<32768xi32, #tpu.memory_space<hbm>>
        %dma_start3A_23 = tpu.memref_slice %arg2[%mul3A_14] : memref<9699328xi32, #tpu.memory_space<hbm>> -> memref<32768xi32, #tpu.memory_space<hbm>>
        tpu.enqueue_dma source(%dma_start3A_23 : memref<32768xi32, #tpu.memory_space<hbm>>) target(%arg6 : memref<32768xi32, #tpu.memory_space<vmem>>) target_semaphore(%run_scoped3A : memref<!tpu.dma_semaphore, #tpu.memory_space<semaphore_mem>>)
        %dma_wait3A = tpu.memref_slice %arg2[%mul3A_14] : memref<9699328xi32, #tpu.memory_space<hbm>> -> memref<32768xi32, #tpu.memory_space<hbm>>
        %dma_wait3A_24 = tpu.memref_slice %arg2[%mul3A_14] : memref<9699328xi32, #tpu.memory_space<hbm>> -> memref<32768xi32, #tpu.memory_space<hbm>>
        tpu.wait_dma2 semaphore(%run_scoped3A : memref<!tpu.dma_semaphore, #tpu.memory_space<semaphore_mem>>) src(%dma_wait3A_24 : memref<32768xi32, #tpu.memory_space<hbm>>) dst(%arg6 : memref<32768xi32, #tpu.memory_space<vmem>>)
        tpu.yield
      }) : () -> ()
      %lt3A = arith.constant 64 : i32
      %lt3A_15 = arith.cmpi slt, %add3A_12, %lt3A : i32
      %jit3A = arith.constant 1 : i32
      %jit3A_16 = arith.constant 2 : i32
      %select_n3A = arith.select %lt3A_15, %jit3A, %jit3A_16 : i32
      %broadcast_in_dim3A = arith.constant 0 : i32
      %broadcast_in_dim3A_17 = vector.broadcast %broadcast_in_dim3A : i32 to vector<16xi32>
      %add3A_18 = vector.broadcast %select_n3A : i32 to vector<16xi32>
      %add3A_19 = arith.addi %broadcast_in_dim3A_17, %add3A_18 : vector<16xi32>
      %parallel_loop3A_20 = arith.constant 0 : i32
      %parallel_loop3A_21 = arith.constant 2048 : i32
      %parallel_loop3A_22 = arith.constant 1 : i32
      scf.for %parallel_loop3A_23 = %parallel_loop3A_20 to %parallel_loop3A_21 step %parallel_loop3A_22  : i32 {
        %parallel_loop3A_24 = arith.constant 16 : i32
        %parallel_loop3A_25 = arith.muli %parallel_loop3A_23, %parallel_loop3A_24 : i32
        %parallel_loop3A_26 = arith.index_cast %parallel_loop3A_25 : i32 to index
        %parallel_loop3A_27 = tpu.vector_load %arg6[%parallel_loop3A_26] {strides = array<i32>} : memref<32768xi32, #tpu.memory_space<vmem>>, vector<16xi32>,
        %parallel_loop3A_28 = arith.subi %parallel_loop3A_27, %get3A_3 : vector<16xi32>
        %parallel_loop3A_29 = arith.constant 15 : i32
        %parallel_loop3A_30 = vector.broadcast %parallel_loop3A_29 : i32 to vector<16xi32>
        %parallel_loop3A_31 = arith.shrsi %parallel_loop3A_28, %parallel_loop3A_30 : vector<16xi32>
        %parallel_loop3A_32 = arith.constant 1 : i32
        %parallel_loop3A_33 = vector.broadcast %parallel_loop3A_32 : i32 to vector<16xi32>
        %parallel_loop3A_34 = arith.addi %parallel_loop3A_31, %parallel_loop3A_33 : vector<16xi32>
        %parallel_loop3A_35 = arith.constant 0 : i32
        %parallel_loop3A_36 = arith.constant 32769 : i32
        %parallel_loop3A_37 = vector.broadcast %parallel_loop3A_35 : i32 to vector<16xi32>
        %parallel_loop3A_38 = arith.maxsi %parallel_loop3A_37, %parallel_loop3A_34 : vector<16xi32>
        %parallel_loop3A_39 = vector.broadcast %parallel_loop3A_36 : i32 to vector<16xi32>
        %parallel_loop3A_40 = arith.minsi %parallel_loop3A_39, %parallel_loop3A_38 : vector<16xi32>
        tpu.vector_store_idx %arg5[%parallel_loop3A_40], %add3A_19 {add = true} : memref<32896xi32, #tpu.memory_space<vmem>>[vector<16xi32>], vector<16xi32>,
      } {sc.loop_unroll_factor = 8 : i64, sc.parallel_access}
    }
    %scan3A_10 = arith.constant 9 : i32
    "tpu.region"() ({
      %run_scoped3A = tpu.sem_alloc : memref<!tpu.dma_semaphore, #tpu.memory_space<semaphore_mem>>
      %dma_start3A = arith.constant 0 : i32
      %dma_start3A_11 = tpu.memref_slice %arg4[%add3A, %dma_start3A] : memref<32x32896xi32, #tpu.memory_space<hbm>> -> memref<1x32896xi32, #tpu.memory_space<hbm>>
      %dma_start3A_12 = tpu.memref_squeeze %dma_start3A_11 : memref<1x32896xi32, #tpu.memory_space<hbm>> -> memref<32896xi32, #tpu.memory_space<hbm>>
      %dma_start3A_13 = arith.constant 0 : i32
      %dma_start3A_14 = tpu.memref_slice %arg4[%add3A, %dma_start3A_13] : memref<32x32896xi32, #tpu.memory_space<hbm>> -> memref<1x32896xi32, #tpu.memory_space<hbm>>
      %dma_start3A_15 = tpu.memref_squeeze %dma_start3A_14 : memref<1x32896xi32, #tpu.memory_space<hbm>> -> memref<32896xi32, #tpu.memory_space<hbm>>
      tpu.enqueue_dma source(%arg5 : memref<32896xi32, #tpu.memory_space<vmem>>) target(%dma_start3A_15 : memref<32896xi32, #tpu.memory_space<hbm>>) target_semaphore(%run_scoped3A : memref<!tpu.dma_semaphore, #tpu.memory_space<semaphore_mem>>)
      %dma_wait3A = arith.constant 0 : i32
      %dma_wait3A_16 = tpu.memref_slice %arg4[%add3A, %dma_wait3A] : memref<32x32896xi32, #tpu.memory_space<hbm>> -> memref<1x32896xi32, #tpu.memory_space<hbm>>
      %dma_wait3A_17 = tpu.memref_squeeze %dma_wait3A_16 : memref<1x32896xi32, #tpu.memory_space<hbm>> -> memref<32896xi32, #tpu.memory_space<hbm>>
      %dma_wait3A_18 = arith.constant 0 : i32
      %dma_wait3A_19 = tpu.memref_slice %arg4[%add3A, %dma_wait3A_18] : memref<32x32896xi32, #tpu.memory_space<hbm>> -> memref<1x32896xi32, #tpu.memory_space<hbm>>
      %dma_wait3A_20 = tpu.memref_squeeze %dma_wait3A_19 : memref<1x32896xi32, #tpu.memory_space<hbm>> -> memref<32896xi32, #tpu.memory_space<hbm>>
      tpu.wait_dma2 semaphore(%run_scoped3A : memref<!tpu.dma_semaphore, #tpu.memory_space<semaphore_mem>>) src(%arg5 : memref<32896xi32, #tpu.memory_space<vmem>>) dst(%dma_wait3A_20 : memref<32896xi32, #tpu.memory_space<hbm>>)
      tpu.yield
    }) : () -> ()
    return
  }
}

#map = affine_map<(d0, d1) -> (0)>
#map1 = affine_map<(d0, d1) -> (0, 0)>
module attributes {stable_mosaic.version = 14 : i64} {
  func.func @hist_k(%arg0: i32, %arg1: i32, %arg2: memref<9699328xi32, #tpu.memory_space<hbm>>, %arg3: memref<16xi32, #tpu.memory_space<hbm>>, %arg4: memref<32x32896xi32, #tpu.memory_space<hbm>>, %arg5: memref<32896xi32, #tpu.memory_space<vmem>>, %arg6: memref<32768xi32, #tpu.memory_space<vmem>>, %arg7: memref<16xi32, #tpu.memory_space<vmem>>) attributes {dimension_semantics = [#tpu.dimension_semantics<core_parallel>, #tpu.dimension_semantics<subcore_parallel>], iteration_bounds = array<i64: 2, 16>, scalar_prefetch = 0 : i64, scratch_operands = 3 : i64, tpu.core_type = #tpu.core_type<sc_vector_subcore>, window_params = [{transform_indices = #map}, {transform_indices = #map}, {transform_indices = #map1}]} {
    %mul3A = arith.constant 2 : i32
    %mul3A_0 = arith.muli %arg1, %mul3A : i32
    %add3A = arith.addi %mul3A_0, %arg0 : i32
    %parallel_loop3A = arith.constant 0 : i32
    %parallel_loop3A_1 = arith.constant 2056 : i32
    %parallel_loop3A_2 = arith.constant 1 : i32
    scf.for %parallel_loop3A_11 = %parallel_loop3A to %parallel_loop3A_1 step %parallel_loop3A_2  : i32 {
      %parallel_loop3A_12 = arith.constant 0 : i32
      %parallel_loop3A_13 = vector.broadcast %parallel_loop3A_12 : i32 to vector<16xi32>
      %parallel_loop3A_14 = arith.constant 16 : i32
      %parallel_loop3A_15 = arith.muli %parallel_loop3A_11, %parallel_loop3A_14 : i32
      %parallel_loop3A_16 = arith.index_cast %parallel_loop3A_15 : i32 to index
      %parallel_loop3A_17 = tpu.vector_load %arg5[%parallel_loop3A_16] {strides = array<i32>} : memref<32896xi32, #tpu.memory_space<vmem>>, vector<16xi32>,
      tpu.vector_store %arg5[%parallel_loop3A_16], %parallel_loop3A_13 {strides = array<i32>} : memref<32896xi32, #tpu.memory_space<vmem>>, vector<16xi32>,
    } {sc.loop_unroll_factor = 8 : i64, sc.parallel_access}
    "tpu.region"() ({
      %run_scoped3A = tpu.sem_alloc : memref<!tpu.dma_semaphore, #tpu.memory_space<semaphore_mem>>
      tpu.enqueue_dma source(%arg3 : memref<16xi32, #tpu.memory_space<hbm>>) target(%arg7 : memref<16xi32, #tpu.memory_space<vmem>>) target_semaphore(%run_scoped3A : memref<!tpu.dma_semaphore, #tpu.memory_space<semaphore_mem>>)
      tpu.wait_dma2 semaphore(%run_scoped3A : memref<!tpu.dma_semaphore, #tpu.memory_space<semaphore_mem>>) src(%arg3 : memref<16xi32, #tpu.memory_space<hbm>>) dst(%arg7 : memref<16xi32, #tpu.memory_space<vmem>>)
      tpu.yield
    }) : () -> ()
    %get3A = arith.constant 0 : index
    %get3A_3 = tpu.vector_load %arg7[%get3A] {strides = array<i32>} : memref<16xi32, #tpu.memory_space<vmem>>, vector<16xi32>,
    %mul3A_4 = arith.constant 9 : i32
    %mul3A_5 = arith.muli %add3A, %mul3A_4 : i32
    %scan3A = arith.constant 0 : i32
    %scan3A_6 = arith.constant 0 : i32
    %scan3A_7 = arith.constant 9 : i32
    %scan3A_8 = arith.addi %scan3A_6, %scan3A_7 : i32
    %scan3A_9 = arith.constant 1 : i32
    scf.for %scan3A_11 = %scan3A_6 to %scan3A_8 step %scan3A_9  : i32 {
      %add3A_12 = arith.addi %mul3A_5, %scan3A_11 : i32
      %mul3A_13 = arith.constant 32768 : i32
      %mul3A_14 = arith.muli %add3A_12, %mul3A_13 : i32
      "tpu.region"() ({
        %run_scoped3A = tpu.sem_alloc : memref<!tpu.dma_semaphore, #tpu.memory_space<semaphore_mem>>
        %dma_start3A = tpu.memref_slice %arg2[%mul3A_14] : memref<9699328xi32, #tpu.memory_space<hbm>> -> memref<32768xi32, #tpu.memory_space<hbm>>
        %dma_start3A_23 = tpu.memref_slice %arg2[%mul3A_14] : memref<9699328xi32, #tpu.memory_space<hbm>> -> memref<32768xi32, #tpu.memory_space<hbm>>
        tpu.enqueue_dma source(%dma_start3A_23 : memref<32768xi32, #tpu.memory_space<hbm>>) target(%arg6 : memref<32768xi32, #tpu.memory_space<vmem>>) target_semaphore(%run_scoped3A : memref<!tpu.dma_semaphore, #tpu.memory_space<semaphore_mem>>)
        %dma_wait3A = tpu.memref_slice %arg2[%mul3A_14] : memref<9699328xi32, #tpu.memory_space<hbm>> -> memref<32768xi32, #tpu.memory_space<hbm>>
        %dma_wait3A_24 = tpu.memref_slice %arg2[%mul3A_14] : memref<9699328xi32, #tpu.memory_space<hbm>> -> memref<32768xi32, #tpu.memory_space<hbm>>
        tpu.wait_dma2 semaphore(%run_scoped3A : memref<!tpu.dma_semaphore, #tpu.memory_space<semaphore_mem>>) src(%dma_wait3A_24 : memref<32768xi32, #tpu.memory_space<hbm>>) dst(%arg6 : memref<32768xi32, #tpu.memory_space<vmem>>)
        tpu.yield
      }) : () -> ()
      %lt3A = arith.constant 64 : i32
      %lt3A_15 = arith.cmpi slt, %add3A_12, %lt3A : i32
      %jit3A = arith.constant 1 : i32
      %jit3A_16 = arith.constant 2 : i32
      %select_n3A = arith.select %lt3A_15, %jit3A, %jit3A_16 : i32
      %broadcast_in_dim3A = arith.constant 0 : i32
      %broadcast_in_dim3A_17 = vector.broadcast %broadcast_in_dim3A : i32 to vector<16xi32>
      %add3A_18 = vector.broadcast %select_n3A : i32 to vector<16xi32>
      %add3A_19 = arith.addi %broadcast_in_dim3A_17, %add3A_18 : vector<16xi32>
      %parallel_loop3A_20 = arith.constant 0 : i32
      %parallel_loop3A_21 = arith.constant 2048 : i32
      %parallel_loop3A_22 = arith.constant 1 : i32
      scf.for %parallel_loop3A_23 = %parallel_loop3A_20 to %parallel_loop3A_21 step %parallel_loop3A_22  : i32 {
        %parallel_loop3A_24 = arith.constant 16 : i32
        %parallel_loop3A_25 = arith.muli %parallel_loop3A_23, %parallel_loop3A_24 : i32
        %parallel_loop3A_26 = arith.index_cast %parallel_loop3A_25 : i32 to index
        %parallel_loop3A_27 = tpu.vector_load %arg6[%parallel_loop3A_26] {strides = array<i32>} : memref<32768xi32, #tpu.memory_space<vmem>>, vector<16xi32>,
        %parallel_loop3A_28 = arith.subi %parallel_loop3A_27, %get3A_3 : vector<16xi32>
        %parallel_loop3A_29 = arith.constant 1 : i32
        %parallel_loop3A_30 = vector.broadcast %parallel_loop3A_29 : i32 to vector<16xi32>
        %parallel_loop3A_31 = arith.addi %parallel_loop3A_28, %parallel_loop3A_30 : vector<16xi32>
        %parallel_loop3A_32 = arith.constant 0 : i32
        %parallel_loop3A_33 = arith.constant 32769 : i32
        %parallel_loop3A_34 = vector.broadcast %parallel_loop3A_32 : i32 to vector<16xi32>
        %parallel_loop3A_35 = arith.maxsi %parallel_loop3A_34, %parallel_loop3A_31 : vector<16xi32>
        %parallel_loop3A_36 = vector.broadcast %parallel_loop3A_33 : i32 to vector<16xi32>
        %parallel_loop3A_37 = arith.minsi %parallel_loop3A_36, %parallel_loop3A_35 : vector<16xi32>
        tpu.vector_store_idx %arg5[%parallel_loop3A_37], %add3A_19 {add = true} : memref<32896xi32, #tpu.memory_space<vmem>>[vector<16xi32>], vector<16xi32>,
      } {sc.loop_unroll_factor = 8 : i64, sc.parallel_access}
    }
    %scan3A_10 = arith.constant 9 : i32
    "tpu.region"() ({
      %run_scoped3A = tpu.sem_alloc : memref<!tpu.dma_semaphore, #tpu.memory_space<semaphore_mem>>
      %dma_start3A = arith.constant 0 : i32
      %dma_start3A_11 = tpu.memref_slice %arg4[%add3A, %dma_start3A] : memref<32x32896xi32, #tpu.memory_space<hbm>> -> memref<1x32896xi32, #tpu.memory_space<hbm>>
      %dma_start3A_12 = tpu.memref_squeeze %dma_start3A_11 : memref<1x32896xi32, #tpu.memory_space<hbm>> -> memref<32896xi32, #tpu.memory_space<hbm>>
      %dma_start3A_13 = arith.constant 0 : i32
      %dma_start3A_14 = tpu.memref_slice %arg4[%add3A, %dma_start3A_13] : memref<32x32896xi32, #tpu.memory_space<hbm>> -> memref<1x32896xi32, #tpu.memory_space<hbm>>
      %dma_start3A_15 = tpu.memref_squeeze %dma_start3A_14 : memref<1x32896xi32, #tpu.memory_space<hbm>> -> memref<32896xi32, #tpu.memory_space<hbm>>
      tpu.enqueue_dma source(%arg5 : memref<32896xi32, #tpu.memory_space<vmem>>) target(%dma_start3A_15 : memref<32896xi32, #tpu.memory_space<hbm>>) target_semaphore(%run_scoped3A : memref<!tpu.dma_semaphore, #tpu.memory_space<semaphore_mem>>)
      %dma_wait3A = arith.constant 0 : i32
      %dma_wait3A_16 = tpu.memref_slice %arg4[%add3A, %dma_wait3A] : memref<32x32896xi32, #tpu.memory_space<hbm>> -> memref<1x32896xi32, #tpu.memory_space<hbm>>
      %dma_wait3A_17 = tpu.memref_squeeze %dma_wait3A_16 : memref<1x32896xi32, #tpu.memory_space<hbm>> -> memref<32896xi32, #tpu.memory_space<hbm>>
      %dma_wait3A_18 = arith.constant 0 : i32
      %dma_wait3A_19 = tpu.memref_slice %arg4[%add3A, %dma_wait3A_18] : memref<32x32896xi32, #tpu.memory_space<hbm>> -> memref<1x32896xi32, #tpu.memory_space<hbm>>
      %dma_wait3A_20 = tpu.memref_squeeze %dma_wait3A_19 : memref<1x32896xi32, #tpu.memory_space<hbm>> -> memref<32896xi32, #tpu.memory_space<hbm>>
      tpu.wait_dma2 semaphore(%run_scoped3A : memref<!tpu.dma_semaphore, #tpu.memory_space<semaphore_mem>>) src(%arg5 : memref<32896xi32, #tpu.memory_space<vmem>>) dst(%dma_wait3A_20 : memref<32896xi32, #tpu.memory_space<hbm>>)
      tpu.yield
    }) : () -> ()
    return
  }
}

module attributes {stable_mosaic.version = 14 : i64} {
  func.func @pick_body(%arg0: memref<32x257x128xi32, #tpu.memory_space<vmem>>, %arg1: memref<16xi32, #tpu.memory_space<vmem>>, %arg2: memref<16xi32, #tpu.memory_space<vmem>>, %arg3: memref<1x128xi32, #tpu.memory_space<vmem>>) attributes {dimension_semantics = [], scalar_prefetch = 0 : i64, scratch_operands = 0 : i64, tpu.core_type = #tpu.core_type<tc>} {
    %get3A = arith.constant 0 : index
    %get3A_0 = arith.constant 0 : index
    %get3A_1 = arith.constant 0 : index
    %get3A_2 = vector.load %arg0[%get3A, %get3A_0, %get3A_1] : memref<32x257x128xi32, #tpu.memory_space<vmem>>, vector<1x257x128xi32>
    %get3A_3 = vector.shape_cast %get3A_2 : vector<1x257x128xi32> to vector<257x128xi32>
    %get3A_4 = arith.constant 1 : index
    %get3A_5 = arith.constant 0 : index
    %get3A_6 = arith.constant 0 : index
    %get3A_7 = vector.load %arg0[%get3A_4, %get3A_5, %get3A_6] : memref<32x257x128xi32, #tpu.memory_space<vmem>>, vector<1x257x128xi32>
    %get3A_8 = vector.shape_cast %get3A_7 : vector<1x257x128xi32> to vector<257x128xi32>
    %add3A = arith.addi %get3A_3, %get3A_8 : vector<257x128xi32>
    %get3A_9 = arith.constant 2 : index
    %get3A_10 = arith.constant 0 : index
    %get3A_11 = arith.constant 0 : index
    %get3A_12 = vector.load %arg0[%get3A_9, %get3A_10, %get3A_11] : memref<32x257x128xi32, #tpu.memory_space<vmem>>, vector<1x257x128xi32>
    %get3A_13 = vector.shape_cast %get3A_12 : vector<1x257x128xi32> to vector<257x128xi32>
    %add3A_14 = arith.addi %add3A, %get3A_13 : vector<257x128xi32>
    %get3A_15 = arith.constant 3 : index
    %get3A_16 = arith.constant 0 : index
    %get3A_17 = arith.constant 0 : index
    %get3A_18 = vector.load %arg0[%get3A_15, %get3A_16, %get3A_17] : memref<32x257x128xi32, #tpu.memory_space<vmem>>, vector<1x257x128xi32>
    %get3A_19 = vector.shape_cast %get3A_18 : vector<1x257x128xi32> to vector<257x128xi32>
    %add3A_20 = arith.addi %add3A_14, %get3A_19 : vector<257x128xi32>
    %get3A_21 = arith.constant 4 : index
    %get3A_22 = arith.constant 0 : index
    %get3A_23 = arith.constant 0 : index
    %get3A_24 = vector.load %arg0[%get3A_21, %get3A_22, %get3A_23] : memref<32x257x128xi32, #tpu.memory_space<vmem>>, vector<1x257x128xi32>
    %get3A_25 = vector.shape_cast %get3A_24 : vector<1x257x128xi32> to vector<257x128xi32>
    %add3A_26 = arith.addi %add3A_20, %get3A_25 : vector<257x128xi32>
    %get3A_27 = arith.constant 5 : index
    %get3A_28 = arith.constant 0 : index
    %get3A_29 = arith.constant 0 : index
    %get3A_30 = vector.load %arg0[%get3A_27, %get3A_28, %get3A_29] : memref<32x257x128xi32, #tpu.memory_space<vmem>>, vector<1x257x128xi32>
    %get3A_31 = vector.shape_cast %get3A_30 : vector<1x257x128xi32> to vector<257x128xi32>
    %add3A_32 = arith.addi %add3A_26, %get3A_31 : vector<257x128xi32>
    %get3A_33 = arith.constant 6 : index
    %get3A_34 = arith.constant 0 : index
    %get3A_35 = arith.constant 0 : index
    %get3A_36 = vector.load %arg0[%get3A_33, %get3A_34, %get3A_35] : memref<32x257x128xi32, #tpu.memory_space<vmem>>, vector<1x257x128xi32>
    %get3A_37 = vector.shape_cast %get3A_36 : vector<1x257x128xi32> to vector<257x128xi32>
    %add3A_38 = arith.addi %add3A_32, %get3A_37 : vector<257x128xi32>
    %get3A_39 = arith.constant 7 : index
    %get3A_40 = arith.constant 0 : index
    %get3A_41 = arith.constant 0 : index
    %get3A_42 = vector.load %arg0[%get3A_39, %get3A_40, %get3A_41] : memref<32x257x128xi32, #tpu.memory_space<vmem>>, vector<1x257x128xi32>
    %get3A_43 = vector.shape_cast %get3A_42 : vector<1x257x128xi32> to vector<257x128xi32>
    %add3A_44 = arith.addi %add3A_38, %get3A_43 : vector<257x128xi32>
    %get3A_45 = arith.constant 8 : index
    %get3A_46 = arith.constant 0 : index
    %get3A_47 = arith.constant 0 : index
    %get3A_48 = vector.load %arg0[%get3A_45, %get3A_46, %get3A_47] : memref<32x257x128xi32, #tpu.memory_space<vmem>>, vector<1x257x128xi32>
    %get3A_49 = vector.shape_cast %get3A_48 : vector<1x257x128xi32> to vector<257x128xi32>
    %add3A_50 = arith.addi %add3A_44, %get3A_49 : vector<257x128xi32>
    %get3A_51 = arith.constant 9 : index
    %get3A_52 = arith.constant 0 : index
    %get3A_53 = arith.constant 0 : index
    %get3A_54 = vector.load %arg0[%get3A_51, %get3A_52, %get3A_53] : memref<32x257x128xi32, #tpu.memory_space<vmem>>, vector<1x257x128xi32>
    %get3A_55 = vector.shape_cast %get3A_54 : vector<1x257x128xi32> to vector<257x128xi32>
    %add3A_56 = arith.addi %add3A_50, %get3A_55 : vector<257x128xi32>
    %get3A_57 = arith.constant 10 : index
    %get3A_58 = arith.constant 0 : index
    %get3A_59 = arith.constant 0 : index
    %get3A_60 = vector.load %arg0[%get3A_57, %get3A_58, %get3A_59] : memref<32x257x128xi32, #tpu.memory_space<vmem>>, vector<1x257x128xi32>
    %get3A_61 = vector.shape_cast %get3A_60 : vector<1x257x128xi32> to vector<257x128xi32>
    %add3A_62 = arith.addi %add3A_56, %get3A_61 : vector<257x128xi32>
    %get3A_63 = arith.constant 11 : index
    %get3A_64 = arith.constant 0 : index
    %get3A_65 = arith.constant 0 : index
    %get3A_66 = vector.load %arg0[%get3A_63, %get3A_64, %get3A_65] : memref<32x257x128xi32, #tpu.memory_space<vmem>>, vector<1x257x128xi32>
    %get3A_67 = vector.shape_cast %get3A_66 : vector<1x257x128xi32> to vector<257x128xi32>
    %add3A_68 = arith.addi %add3A_62, %get3A_67 : vector<257x128xi32>
    %get3A_69 = arith.constant 12 : index
    %get3A_70 = arith.constant 0 : index
    %get3A_71 = arith.constant 0 : index
    %get3A_72 = vector.load %arg0[%get3A_69, %get3A_70, %get3A_71] : memref<32x257x128xi32, #tpu.memory_space<vmem>>, vector<1x257x128xi32>
    %get3A_73 = vector.shape_cast %get3A_72 : vector<1x257x128xi32> to vector<257x128xi32>
    %add3A_74 = arith.addi %add3A_68, %get3A_73 : vector<257x128xi32>
    %get3A_75 = arith.constant 13 : index
    %get3A_76 = arith.constant 0 : index
    %get3A_77 = arith.constant 0 : index
    %get3A_78 = vector.load %arg0[%get3A_75, %get3A_76, %get3A_77] : memref<32x257x128xi32, #tpu.memory_space<vmem>>, vector<1x257x128xi32>
    %get3A_79 = vector.shape_cast %get3A_78 : vector<1x257x128xi32> to vector<257x128xi32>
    %add3A_80 = arith.addi %add3A_74, %get3A_79 : vector<257x128xi32>
    %get3A_81 = arith.constant 14 : index
    %get3A_82 = arith.constant 0 : index
    %get3A_83 = arith.constant 0 : index
    %get3A_84 = vector.load %arg0[%get3A_81, %get3A_82, %get3A_83] : memref<32x257x128xi32, #tpu.memory_space<vmem>>, vector<1x257x128xi32>
    %get3A_85 = vector.shape_cast %get3A_84 : vector<1x257x128xi32> to vector<257x128xi32>
    %add3A_86 = arith.addi %add3A_80, %get3A_85 : vector<257x128xi32>
    %get3A_87 = arith.constant 15 : index
    %get3A_88 = arith.constant 0 : index
    %get3A_89 = arith.constant 0 : index
    %get3A_90 = vector.load %arg0[%get3A_87, %get3A_88, %get3A_89] : memref<32x257x128xi32, #tpu.memory_space<vmem>>, vector<1x257x128xi32>
    %get3A_91 = vector.shape_cast %get3A_90 : vector<1x257x128xi32> to vector<257x128xi32>
    %add3A_92 = arith.addi %add3A_86, %get3A_91 : vector<257x128xi32>
    %get3A_93 = arith.constant 16 : index
    %get3A_94 = arith.constant 0 : index
    %get3A_95 = arith.constant 0 : index
    %get3A_96 = vector.load %arg0[%get3A_93, %get3A_94, %get3A_95] : memref<32x257x128xi32, #tpu.memory_space<vmem>>, vector<1x257x128xi32>
    %get3A_97 = vector.shape_cast %get3A_96 : vector<1x257x128xi32> to vector<257x128xi32>
    %add3A_98 = arith.addi %add3A_92, %get3A_97 : vector<257x128xi32>
    %get3A_99 = arith.constant 17 : index
    %get3A_100 = arith.constant 0 : index
    %get3A_101 = arith.constant 0 : index
    %get3A_102 = vector.load %arg0[%get3A_99, %get3A_100, %get3A_101] : memref<32x257x128xi32, #tpu.memory_space<vmem>>, vector<1x257x128xi32>
    %get3A_103 = vector.shape_cast %get3A_102 : vector<1x257x128xi32> to vector<257x128xi32>
    %add3A_104 = arith.addi %add3A_98, %get3A_103 : vector<257x128xi32>
    %get3A_105 = arith.constant 18 : index
    %get3A_106 = arith.constant 0 : index
    %get3A_107 = arith.constant 0 : index
    %get3A_108 = vector.load %arg0[%get3A_105, %get3A_106, %get3A_107] : memref<32x257x128xi32, #tpu.memory_space<vmem>>, vector<1x257x128xi32>
    %get3A_109 = vector.shape_cast %get3A_108 : vector<1x257x128xi32> to vector<257x128xi32>
    %add3A_110 = arith.addi %add3A_104, %get3A_109 : vector<257x128xi32>
    %get3A_111 = arith.constant 19 : index
    %get3A_112 = arith.constant 0 : index
    %get3A_113 = arith.constant 0 : index
    %get3A_114 = vector.load %arg0[%get3A_111, %get3A_112, %get3A_113] : memref<32x257x128xi32, #tpu.memory_space<vmem>>, vector<1x257x128xi32>
    %get3A_115 = vector.shape_cast %get3A_114 : vector<1x257x128xi32> to vector<257x128xi32>
    %add3A_116 = arith.addi %add3A_110, %get3A_115 : vector<257x128xi32>
    %get3A_117 = arith.constant 20 : index
    %get3A_118 = arith.constant 0 : index
    %get3A_119 = arith.constant 0 : index
    %get3A_120 = vector.load %arg0[%get3A_117, %get3A_118, %get3A_119] : memref<32x257x128xi32, #tpu.memory_space<vmem>>, vector<1x257x128xi32>
    %get3A_121 = vector.shape_cast %get3A_120 : vector<1x257x128xi32> to vector<257x128xi32>
    %add3A_122 = arith.addi %add3A_116, %get3A_121 : vector<257x128xi32>
    %get3A_123 = arith.constant 21 : index
    %get3A_124 = arith.constant 0 : index
    %get3A_125 = arith.constant 0 : index
    %get3A_126 = vector.load %arg0[%get3A_123, %get3A_124, %get3A_125] : memref<32x257x128xi32, #tpu.memory_space<vmem>>, vector<1x257x128xi32>
    %get3A_127 = vector.shape_cast %get3A_126 : vector<1x257x128xi32> to vector<257x128xi32>
    %add3A_128 = arith.addi %add3A_122, %get3A_127 : vector<257x128xi32>
    %get3A_129 = arith.constant 22 : index
    %get3A_130 = arith.constant 0 : index
    %get3A_131 = arith.constant 0 : index
    %get3A_132 = vector.load %arg0[%get3A_129, %get3A_130, %get3A_131] : memref<32x257x128xi32, #tpu.memory_space<vmem>>, vector<1x257x128xi32>
    %get3A_133 = vector.shape_cast %get3A_132 : vector<1x257x128xi32> to vector<257x128xi32>
    %add3A_134 = arith.addi %add3A_128, %get3A_133 : vector<257x128xi32>
    %get3A_135 = arith.constant 23 : index
    %get3A_136 = arith.constant 0 : index
    %get3A_137 = arith.constant 0 : index
    %get3A_138 = vector.load %arg0[%get3A_135, %get3A_136, %get3A_137] : memref<32x257x128xi32, #tpu.memory_space<vmem>>, vector<1x257x128xi32>
    %get3A_139 = vector.shape_cast %get3A_138 : vector<1x257x128xi32> to vector<257x128xi32>
    %add3A_140 = arith.addi %add3A_134, %get3A_139 : vector<257x128xi32>
    %get3A_141 = arith.constant 24 : index
    %get3A_142 = arith.constant 0 : index
    %get3A_143 = arith.constant 0 : index
    %get3A_144 = vector.load %arg0[%get3A_141, %get3A_142, %get3A_143] : memref<32x257x128xi32, #tpu.memory_space<vmem>>, vector<1x257x128xi32>
    %get3A_145 = vector.shape_cast %get3A_144 : vector<1x257x128xi32> to vector<257x128xi32>
    %add3A_146 = arith.addi %add3A_140, %get3A_145 : vector<257x128xi32>
    %get3A_147 = arith.constant 25 : index
    %get3A_148 = arith.constant 0 : index
    %get3A_149 = arith.constant 0 : index
    %get3A_150 = vector.load %arg0[%get3A_147, %get3A_148, %get3A_149] : memref<32x257x128xi32, #tpu.memory_space<vmem>>, vector<1x257x128xi32>
    %get3A_151 = vector.shape_cast %get3A_150 : vector<1x257x128xi32> to vector<257x128xi32>
    %add3A_152 = arith.addi %add3A_146, %get3A_151 : vector<257x128xi32>
    %get3A_153 = arith.constant 26 : index
    %get3A_154 = arith.constant 0 : index
    %get3A_155 = arith.constant 0 : index
    %get3A_156 = vector.load %arg0[%get3A_153, %get3A_154, %get3A_155] : memref<32x257x128xi32, #tpu.memory_space<vmem>>, vector<1x257x128xi32>
    %get3A_157 = vector.shape_cast %get3A_156 : vector<1x257x128xi32> to vector<257x128xi32>
    %add3A_158 = arith.addi %add3A_152, %get3A_157 : vector<257x128xi32>
    %get3A_159 = arith.constant 27 : index
    %get3A_160 = arith.constant 0 : index
    %get3A_161 = arith.constant 0 : index
    %get3A_162 = vector.load %arg0[%get3A_159, %get3A_160, %get3A_161] : memref<32x257x128xi32, #tpu.memory_space<vmem>>, vector<1x257x128xi32>
    %get3A_163 = vector.shape_cast %get3A_162 : vector<1x257x128xi32> to vector<257x128xi32>
    %add3A_164 = arith.addi %add3A_158, %get3A_163 : vector<257x128xi32>
    %get3A_165 = arith.constant 28 : index
    %get3A_166 = arith.constant 0 : index
    %get3A_167 = arith.constant 0 : index
    %get3A_168 = vector.load %arg0[%get3A_165, %get3A_166, %get3A_167] : memref<32x257x128xi32, #tpu.memory_space<vmem>>, vector<1x257x128xi32>
    %get3A_169 = vector.shape_cast %get3A_168 : vector<1x257x128xi32> to vector<257x128xi32>
    %add3A_170 = arith.addi %add3A_164, %get3A_169 : vector<257x128xi32>
    %get3A_171 = arith.constant 29 : index
    %get3A_172 = arith.constant 0 : index
    %get3A_173 = arith.constant 0 : index
    %get3A_174 = vector.load %arg0[%get3A_171, %get3A_172, %get3A_173] : memref<32x257x128xi32, #tpu.memory_space<vmem>>, vector<1x257x128xi32>
    %get3A_175 = vector.shape_cast %get3A_174 : vector<1x257x128xi32> to vector<257x128xi32>
    %add3A_176 = arith.addi %add3A_170, %get3A_175 : vector<257x128xi32>
    %get3A_177 = arith.constant 30 : index
    %get3A_178 = arith.constant 0 : index
    %get3A_179 = arith.constant 0 : index
    %get3A_180 = vector.load %arg0[%get3A_177, %get3A_178, %get3A_179] : memref<32x257x128xi32, #tpu.memory_space<vmem>>, vector<1x257x128xi32>
    %get3A_181 = vector.shape_cast %get3A_180 : vector<1x257x128xi32> to vector<257x128xi32>
    %add3A_182 = arith.addi %add3A_176, %get3A_181 : vector<257x128xi32>
    %get3A_183 = arith.constant 31 : index
    %get3A_184 = arith.constant 0 : index
    %get3A_185 = arith.constant 0 : index
    %get3A_186 = vector.load %arg0[%get3A_183, %get3A_184, %get3A_185] : memref<32x257x128xi32, #tpu.memory_space<vmem>>, vector<1x257x128xi32>
    %get3A_187 = vector.shape_cast %get3A_186 : vector<1x257x128xi32> to vector<257x128xi32>
    %add3A_188 = arith.addi %add3A_182, %get3A_187 : vector<257x128xi32>
    %convert_element_type3A = arith.sitofp %add3A_188 : vector<257x128xi32> to vector<257x128xf32>
    %iota3A = tpu.iota {dimensions = array<i32: 0>} : vector<128x128xi32>
    %iota3A_189 = tpu.iota {dimensions = array<i32: 1>} : vector<128x128xi32>
    %ge3A = arith.cmpi sge, %iota3A, %iota3A_189 : vector<128x128xi32>
    %convert_element_type3A_190 = arith.extui %ge3A : vector<128x128xi1> to vector<128x128xi32>
    %convert_element_type3A_191 = arith.sitofp %convert_element_type3A_190 : vector<128x128xi32> to vector<128x128xf32>
    %dot_general3A = arith.constant dense<0.000000e+00> : vector<257x128xf32>
    %dot_general3A_192 = tpu.matmul %convert_element_type3A, %convert_element_type3A_191, %dot_general3A {dimension_numbers = #tpu.dot_dimension_numbers<[1], [0], [0], [1], [0, 0, 1, 1], [], []>, transpose_lhs_hint = false} : vector<257x128xf32>, vector<128x128xf32>, vector<257x128xf32> -> vector<257x128xf32>
    %iota3A_193 = tpu.iota {dimensions = array<i32: 0>} : vector<257x257xi32>
    %iota3A_194 = tpu.iota {dimensions = array<i32: 1>} : vector<257x257xi32>
    %gt3A = arith.cmpi sgt, %iota3A_194, %iota3A_193 : vector<257x257xi32>
    %convert_element_type3A_195 = arith.extui %gt3A : vector<257x257xi1> to vector<257x257xi32>
    %convert_element_type3A_196 = arith.sitofp %convert_element_type3A_195 : vector<257x257xi32> to vector<257x257xf32>
    %dot_general3A_197 = arith.constant dense<0.000000e+00> : vector<257x128xf32>
    %dot_general3A_198 = tpu.matmul %convert_element_type3A_196, %convert_element_type3A, %dot_general3A_197 {dimension_numbers = #tpu.dot_dimension_numbers<[1], [0], [0], [1], [0, 0, 1, 1], [], []>, transpose_lhs_hint = false} : vector<257x257xf32>, vector<257x128xf32>, vector<257x128xf32> -> vector<257x128xf32>
    %reduce_sum3A = arith.constant dense<0.000000e+00> : vector<257xf32>
    %reduce_sum3A_199 = vector.multi_reduction <add>, %dot_general3A_198, %reduce_sum3A [1] : vector<257x128xf32> to vector<257xf32>
    %broadcast_in_dim3A = vector.shape_cast %reduce_sum3A_199 : vector<257xf32> to vector<257x1xf32>
    %add3A_200 = vector.broadcast %broadcast_in_dim3A : vector<257x1xf32> to vector<257x128xf32>
    %add3A_201 = arith.addf %dot_general3A_192, %add3A_200 : vector<257x128xf32>
    %iota3A_202 = tpu.iota {dimensions = array<i32: 0>} : vector<257x128xi32>
    %iota3A_203 = tpu.iota {dimensions = array<i32: 1>} : vector<257x128xi32>
    %mul3A = arith.constant 128 : i32
    %mul3A_204 = vector.broadcast %mul3A : i32 to vector<257x128xi32>
    %mul3A_205 = arith.muli %iota3A_202, %mul3A_204 : vector<257x128xi32>
    %add3A_206 = arith.addi %mul3A_205, %iota3A_203 : vector<257x128xi32>
    %convert_element_type3A_207 = arith.sitofp %add3A_206 : vector<257x128xi32> to vector<257x128xf32>
    %ge3A_208 = arith.constant 8.388620e+05 : f32
    %ge3A_209 = vector.broadcast %ge3A_208 : f32 to vector<257x128xf32>
    %ge3A_210 = arith.cmpf oge, %add3A_201, %ge3A_209 : vector<257x128xf32>
    %jit3A = arith.constant -1.000000e+00 : f32
    %broadcast_in_dim3A_211 = vector.broadcast %jit3A : f32 to vector<257x128xf32>
    %select_n3A = arith.select %ge3A_210, %convert_element_type3A_207, %broadcast_in_dim3A_211 : vector<257x128xi1>, vector<257x128xf32>
    %reduce_max3A = vector.shape_cast %select_n3A : vector<257x128xf32> to vector<1x257x128xf32>
    %reduce_max3A_212 = arith.constant dense<0xFF800000> : vector<1xf32>
    %reduce_max3A_213 = vector.multi_reduction <maximumf>, %reduce_max3A, %reduce_max3A_212 [1, 2] : vector<1x257x128xf32> to vector<1xf32>
    %reduce_max3A_214 = vector.shape_cast %reduce_max3A_213 : vector<1xf32> to vector<1x1x1xf32>
    %reduce_max3A_215 = vector.extract %reduce_max3A_214[0, 0, 0] : f32 from vector<1x1x1xf32>
    %convert_element_type3A_216 = arith.fptosi %reduce_max3A_215 : f32 to i32
    %get3A_217 = arith.constant 0 : index
    %get3A_218 = vector.load %arg1[%get3A_217] : memref<16xi32, #tpu.memory_space<vmem>>, vector<1xi32>
    %get3A_219 = vector.extract %get3A_218[0] : i32 from vector<1xi32>
    %sub3A = arith.constant 1 : i32
    %sub3A_220 = arith.subi %convert_element_type3A_216, %sub3A : i32
    %shift_left3A = arith.constant 15 : i32
    %shift_left3A_221 = arith.shli %sub3A_220, %shift_left3A : i32
    %add3A_222 = arith.addi %get3A_219, %shift_left3A_221 : i32
    %broadcast_in_dim3A_223 = vector.broadcast %add3A_222 : i32 to vector<16xi32>
    %swap3A = arith.constant 0 : index
    %swap3A_224 = vector.load %arg2[%swap3A] : memref<16xi32, #tpu.memory_space<vmem>>, vector<16xi32>
    tpu.vector_store %arg2[%swap3A], %broadcast_in_dim3A_223 {strides = array<i32>} : memref<16xi32, #tpu.memory_space<vmem>>, vector<16xi32>,
    %broadcast_in_dim3A_225 = vector.broadcast %add3A_222 : i32 to vector<1x128xi32>
    %swap3A_226 = arith.constant 0 : index
    %swap3A_227 = arith.constant 0 : index
    %swap3A_228 = vector.load %arg3[%swap3A_226, %swap3A_227] : memref<1x128xi32, #tpu.memory_space<vmem>>, vector<1x128xi32>
    tpu.vector_store %arg3[%swap3A_226, %swap3A_227], %broadcast_in_dim3A_225 {strides = array<i32>} : memref<1x128xi32, #tpu.memory_space<vmem>>, vector<1x128xi32>,
    return
  }
}

module attributes {stable_mosaic.version = 14 : i64} {
  func.func @_xn_body(%arg0: i32, %arg1: memref<512x256xf32, #tpu.memory_space<vmem>>, %arg2: memref<512x256xf32, #tpu.memory_space<vmem>>) attributes {dimension_semantics = [#tpu.dimension_semantics<arbitrary>], iteration_bounds = array<i64: 8>, scalar_prefetch = 0 : i64, scratch_operands = 0 : i64, tpu.core_type = #tpu.core_type<tc>, window_params = [{transform_indices = @transform_0, window_bounds = array<i64: 512, 256>}, {transform_indices = @transform_1, window_bounds = array<i64: 512, 256>}]} {
    %get3A = arith.constant 0 : index
    %get3A_0 = arith.constant 0 : index
    %get3A_1 = vector.load %arg1[%get3A, %get3A_0] : memref<512x256xf32, #tpu.memory_space<vmem>>, vector<512x256xf32>
    %mul3A = arith.mulf %get3A_1, %get3A_1 : vector<512x256xf32>
    %reduce_sum3A = arith.constant dense<0.000000e+00> : vector<512xf32>
    %reduce_sum3A_2 = vector.multi_reduction <add>, %mul3A, %reduce_sum3A [1] : vector<512x256xf32> to vector<512xf32>
    %broadcast_in_dim3A = vector.shape_cast %reduce_sum3A_2 : vector<512xf32> to vector<512x1xf32>
    %sqrt3A = math.sqrt %broadcast_in_dim3A : vector<512x1xf32>
    %max3A = arith.constant 9.99999993E-9 : f32
    %max3A_3 = vector.broadcast %max3A : f32 to vector<512x1xf32>
    %max3A_4 = arith.maximumf %sqrt3A, %max3A_3 : vector<512x1xf32>
    %div3A = vector.broadcast %max3A_4 : vector<512x1xf32> to vector<512x256xf32>
    %div3A_5 = arith.divf %get3A_1, %div3A : vector<512x256xf32>
    %swap3A = arith.constant 0 : index
    %swap3A_6 = arith.constant 0 : index
    %swap3A_7 = vector.load %arg2[%swap3A, %swap3A_6] : memref<512x256xf32, #tpu.memory_space<vmem>>, vector<512x256xf32>
    tpu.vector_store %arg2[%swap3A, %swap3A_6], %div3A_5 {strides = array<i32>} : memref<512x256xf32, #tpu.memory_space<vmem>>, vector<512x256xf32>,
    return
  }
  func.func @transform_0(%arg0: i32) -> (i32, i32) {
    %c0_i32 = arith.constant 0 : i32
    %c0_i32_0 = arith.constant 0 : i32
    return %arg0, %c0_i32 : i32, i32
  }
  func.func @transform_1(%arg0: i32) -> (i32, i32) {
    %c0_i32 = arith.constant 0 : i32
    %c0_i32_0 = arith.constant 0 : i32
    return %arg0, %c0_i32 : i32, i32
  }
}

module attributes {stable_mosaic.version = 14 : i64} {
  func.func @_sim_body(%arg0: i32, %arg1: i32, %arg2: memref<512x256xf32, #tpu.memory_space<vmem>>, %arg3: memref<512x256xf32, #tpu.memory_space<vmem>>, %arg4: memref<512x512xi32, #tpu.memory_space<vmem>>, %arg5: memref<1x512x512xi32, #tpu.memory_space<vmem>>) attributes {dimension_semantics = [#tpu.dimension_semantics<arbitrary>, #tpu.dimension_semantics<arbitrary>], iteration_bounds = array<i64: 8, 8>, scalar_prefetch = 0 : i64, scratch_operands = 0 : i64, tpu.core_type = #tpu.core_type<tc>, window_params = [{transform_indices = @transform_0, window_bounds = array<i64: 512, 256>}, {transform_indices = @transform_1, window_bounds = array<i64: 512, 256>}, {transform_indices = @transform_2, window_bounds = array<i64: 512, 512>}, {transform_indices = @transform_3, window_bounds = array<i64: 1, 512, 512>}]} {
    %get3A = arith.constant 0 : index
    %get3A_0 = arith.constant 0 : index
    %get3A_1 = vector.load %arg2[%get3A, %get3A_0] : memref<512x256xf32, #tpu.memory_space<vmem>>, vector<512x256xf32>
    %get3A_2 = arith.constant 0 : index
    %get3A_3 = arith.constant 0 : index
    %get3A_4 = vector.load %arg3[%get3A_2, %get3A_3] : memref<512x256xf32, #tpu.memory_space<vmem>>, vector<512x256xf32>
    %dot_general3A = arith.constant dense<0.000000e+00> : vector<512x512xf32>
    %dot_general3A_5 = tpu.matmul %get3A_1, %get3A_4, %dot_general3A {dimension_numbers = #tpu.dot_dimension_numbers<[1], [1], [0], [0], [0, 0, 1, 0], [], []>, transpose_lhs_hint = false} : vector<512x256xf32>, vector<512x256xf32>, vector<512x512xf32> -> vector<512x512xf32>
    %abs3A = math.absf %dot_general3A_5 : vector<512x512xf32>
    %bitcast_convert_type3A = tpu.bitcast %abs3A : vector<512x512xf32> -> vector<512x512xi32>
    %swap3A = arith.constant 0 : index
    %swap3A_6 = arith.constant 0 : index
    %swap3A_7 = vector.load %arg4[%swap3A, %swap3A_6] : memref<512x512xi32, #tpu.memory_space<vmem>>, vector<512x512xi32>
    tpu.vector_store %arg4[%swap3A, %swap3A_6], %bitcast_convert_type3A {strides = array<i32>} : memref<512x512xi32, #tpu.memory_space<vmem>>, vector<512x512xi32>,
    %swap3A_8 = arith.constant 0 : index
    %swap3A_9 = arith.constant 0 : index
    %swap3A_10 = arith.constant 0 : index
    %swap3A_11 = vector.load %arg5[%swap3A_8, %swap3A_9, %swap3A_10] : memref<1x512x512xi32, #tpu.memory_space<vmem>>, vector<1x512x512xi32>
    %swap3A_12 = vector.shape_cast %swap3A_11 : vector<1x512x512xi32> to vector<512x512xi32>
    %swap3A_13 = vector.shape_cast %bitcast_convert_type3A : vector<512x512xi32> to vector<1x512x512xi32>
    tpu.vector_store %arg5[%swap3A_8, %swap3A_9, %swap3A_10], %swap3A_13 {strides = array<i32>} : memref<1x512x512xi32, #tpu.memory_space<vmem>>, vector<1x512x512xi32>,
    return
  }
  func.func @transform_0(%arg0: i32, %arg1: i32) -> (i32, i32) {
    %c0_i32 = arith.constant 0 : i32
    %c0_i32_0 = arith.constant 0 : i32
    return %arg0, %c0_i32 : i32, i32
  }
  func.func @transform_1(%arg0: i32, %arg1: i32) -> (i32, i32) {
    %c0_i32 = arith.constant 0 : i32
    %c0_i32_0 = arith.constant 0 : i32
    return %arg1, %c0_i32 : i32, i32
  }
  func.func @transform_2(%arg0: i32, %arg1: i32) -> (i32, i32) {
    %c0_i32 = arith.constant 0 : i32
    return %arg0, %arg1 : i32, i32
  }
  func.func @transform_3(%arg0: i32, %arg1: i32) -> (i32, i32, i32) {
    %mul3A = arith.constant 7 : i32
    %mul3A_0 = arith.muli %mul3A, %arg0 : i32
    %add3A = arith.constant 8 : i32
    %add3A_1 = arith.addi %add3A, %mul3A_0 : i32
    %sub3A = arith.constant 1 : i32
    %sub3A_2 = arith.subi %arg0, %sub3A : i32
    %mul3A_3 = arith.muli %arg0, %sub3A_2 : i32
    %jit3A = arith.constant 2 : i32
    %div3A = arith.divsi %mul3A_3, %jit3A : i32
    %sign3A = arith.constant 0 : i32
    %sign3A_4 = arith.cmpi sgt, %mul3A_3, %sign3A : i32
    %sign3A_5 = arith.extui %sign3A_4 : i1 to i32
    %sign3A_6 = arith.constant 0 : i32
    %sign3A_7 = arith.cmpi slt, %mul3A_3, %sign3A_6 : i32
    %sign3A_8 = arith.extui %sign3A_7 : i1 to i32
    %sign3A_9 = arith.subi %sign3A_5, %sign3A_8 : i32
    %sign3A_10 = arith.constant 0 : i32
    %sign3A_11 = arith.cmpi sgt, %jit3A, %sign3A_10 : i32
    %sign3A_12 = arith.extui %sign3A_11 : i1 to i32
    %sign3A_13 = arith.constant 0 : i32
    %sign3A_14 = arith.cmpi slt, %jit3A, %sign3A_13 : i32
    %sign3A_15 = arith.extui %sign3A_14 : i1 to i32
    %sign3A_16 = arith.subi %sign3A_12, %sign3A_15 : i32
    %ne3A = arith.cmpi ne, %sign3A_9, %sign3A_16 : i32
    %rem3A = arith.remsi %mul3A_3, %jit3A : i32
    %ne3A_17 = arith.constant 0 : i32
    %ne3A_18 = arith.cmpi ne, %rem3A, %ne3A_17 : i32
    %and3A = arith.andi %ne3A, %ne3A_18 : i1
    %sub3A_19 = arith.constant 1 : i32
    %sub3A_20 = arith.subi %div3A, %sub3A_19 : i32
    %select_n3A = arith.select %and3A, %sub3A_20, %div3A : i32
    %sub3A_21 = arith.subi %add3A_1, %select_n3A : i32
    %sub3A_22 = arith.subi %arg1, %arg0 : i32
    %sub3A_23 = arith.constant 1 : i32
    %sub3A_24 = arith.subi %sub3A_22, %sub3A_23 : i32
    %add3A_25 = arith.addi %sub3A_21, %sub3A_24 : i32
    %gt3A = arith.cmpi sgt, %arg1, %arg0 : i32
    %eq3A = arith.cmpi eq, %arg1, %arg0 : i32
    %jit3A_26 = arith.constant 36 : i32
    %select_n3A_27 = arith.select %eq3A, %arg0, %jit3A_26 : i32
    %select_n3A_28 = arith.select %gt3A, %add3A_25, %select_n3A_27 : i32
    %c0_i32 = arith.constant 0 : i32
    %c0_i32_29 = arith.constant 0 : i32
    %c0_i32_30 = arith.constant 0 : i32
    return %select_n3A_28, %c0_i32, %c0_i32_29 : i32, i32, i32
  }
}

module attributes {stable_mosaic.version = 14 : i64} {
  func.func @_inproj_body(%arg0: i32, %arg1: memref<512x256xf32, #tpu.memory_space<vmem>>, %arg2: memref<256x256xf32, #tpu.memory_space<vmem>>, %arg3: memref<512x256xf32, #tpu.memory_space<vmem>>) attributes {dimension_semantics = [#tpu.dimension_semantics<arbitrary>], iteration_bounds = array<i64: 8>, scalar_prefetch = 0 : i64, scratch_operands = 0 : i64, tpu.core_type = #tpu.core_type<tc>, window_params = [{transform_indices = @transform_0, window_bounds = array<i64: 512, 256>}, {pipeline_mode = #tpu.pipeline_mode<synchronous>, transform_indices = @transform_1, window_bounds = array<i64: 256, 256>}, {transform_indices = @transform_2, window_bounds = array<i64: 512, 256>}]} {
    %get3A = arith.constant 0 : index
    %get3A_0 = arith.constant 0 : index
    %get3A_1 = vector.load %arg1[%get3A, %get3A_0] : memref<512x256xf32, #tpu.memory_space<vmem>>, vector<512x256xf32>
    %get3A_2 = arith.constant 0 : index
    %get3A_3 = arith.constant 0 : index
    %get3A_4 = vector.load %arg2[%get3A_2, %get3A_3] : memref<256x256xf32, #tpu.memory_space<vmem>>, vector<256x256xf32>
    %dot_general3A = arith.constant dense<0.000000e+00> : vector<512x256xf32>
    %dot_general3A_5 = tpu.matmul %get3A_1, %get3A_4, %dot_general3A {dimension_numbers = #tpu.dot_dimension_numbers<[1], [1], [0], [0], [0, 0, 1, 0], [], []>, transpose_lhs_hint = false} : vector<512x256xf32>, vector<256x256xf32>, vector<512x256xf32> -> vector<512x256xf32>
    %max3A = arith.constant 0.000000e+00 : f32
    %max3A_6 = vector.broadcast %max3A : f32 to vector<512x256xf32>
    %max3A_7 = arith.maximumf %dot_general3A_5, %max3A_6 : vector<512x256xf32>
    %swap3A = arith.constant 0 : index
    %swap3A_8 = arith.constant 0 : index
    %swap3A_9 = vector.load %arg3[%swap3A, %swap3A_8] : memref<512x256xf32, #tpu.memory_space<vmem>>, vector<512x256xf32>
    tpu.vector_store %arg3[%swap3A, %swap3A_8], %max3A_7 {strides = array<i32>} : memref<512x256xf32, #tpu.memory_space<vmem>>, vector<512x256xf32>,
    return
  }
  func.func @transform_0(%arg0: i32) -> (i32, i32) {
    %c0_i32 = arith.constant 0 : i32
    %c0_i32_0 = arith.constant 0 : i32
    return %arg0, %c0_i32 : i32, i32
  }
  func.func @transform_1(%arg0: i32) -> (i32, i32) {
    %c0_i32 = arith.constant 0 : i32
    %c0_i32_0 = arith.constant 0 : i32
    %c0_i32_1 = arith.constant 0 : i32
    return %c0_i32, %c0_i32_0 : i32, i32
  }
  func.func @transform_2(%arg0: i32) -> (i32, i32) {
    %c0_i32 = arith.constant 0 : i32
    %c0_i32_0 = arith.constant 0 : i32
    return %arg0, %c0_i32 : i32, i32
  }
}

module attributes {stable_mosaic.version = 14 : i64} {
  func.func @_stats_body(%arg0: memref<4096x256xf32, #tpu.memory_space<vmem>>, %arg1: memref<1x256xf32, #tpu.memory_space<vmem>>, %arg2: memref<1x256xf32, #tpu.memory_space<vmem>>) attributes {dimension_semantics = [], scalar_prefetch = 0 : i64, scratch_operands = 0 : i64, tpu.core_type = #tpu.core_type<tc>} {
    %get3A = arith.constant 0 : index
    %get3A_0 = arith.constant 0 : index
    %get3A_1 = vector.load %arg0[%get3A, %get3A_0] : memref<4096x256xf32, #tpu.memory_space<vmem>>, vector<4096x256xf32>
    %reduce_sum3A = arith.constant dense<0.000000e+00> : vector<256xf32>
    %reduce_sum3A_2 = vector.multi_reduction <add>, %get3A_1, %reduce_sum3A [0] : vector<4096x256xf32> to vector<256xf32>
    %broadcast_in_dim3A = vector.shape_cast %reduce_sum3A_2 : vector<256xf32> to vector<1x256xf32>
    %div3A = arith.constant 4.096000e+03 : f32
    %div3A_3 = vector.broadcast %div3A : f32 to vector<1x256xf32>
    %div3A_4 = arith.divf %broadcast_in_dim3A, %div3A_3 : vector<1x256xf32>
    %sub3A = vector.broadcast %div3A_4 : vector<1x256xf32> to vector<4096x256xf32>
    %sub3A_5 = arith.subf %get3A_1, %sub3A : vector<4096x256xf32>
    %sub3A_6 = vector.broadcast %div3A_4 : vector<1x256xf32> to vector<4096x256xf32>
    %sub3A_7 = arith.subf %get3A_1, %sub3A_6 : vector<4096x256xf32>
    %mul3A = arith.mulf %sub3A_5, %sub3A_7 : vector<4096x256xf32>
    %reduce_sum3A_8 = arith.constant dense<0.000000e+00> : vector<256xf32>
    %reduce_sum3A_9 = vector.multi_reduction <add>, %mul3A, %reduce_sum3A_8 [0] : vector<4096x256xf32> to vector<256xf32>
    %broadcast_in_dim3A_10 = vector.shape_cast %reduce_sum3A_9 : vector<256xf32> to vector<1x256xf32>
    %div3A_11 = arith.constant 4.096000e+03 : f32
    %div3A_12 = vector.broadcast %div3A_11 : f32 to vector<1x256xf32>
    %div3A_13 = arith.divf %broadcast_in_dim3A_10, %div3A_12 : vector<1x256xf32>
    %swap3A = arith.constant 0 : index
    %swap3A_14 = arith.constant 0 : index
    %swap3A_15 = vector.load %arg1[%swap3A, %swap3A_14] : memref<1x256xf32, #tpu.memory_space<vmem>>, vector<1x256xf32>
    tpu.vector_store %arg1[%swap3A, %swap3A_14], %div3A_4 {strides = array<i32>} : memref<1x256xf32, #tpu.memory_space<vmem>>, vector<1x256xf32>,
    %add3A = arith.constant 9.99999974E-6 : f32
    %add3A_16 = vector.broadcast %add3A : f32 to vector<1x256xf32>
    %add3A_17 = arith.addf %div3A_13, %add3A_16 : vector<1x256xf32>
    %sqrt3A = math.sqrt %add3A_17 : vector<1x256xf32>
    %div3A_18 = arith.constant 1.000000e+00 : f32
    %div3A_19 = vector.broadcast %div3A_18 : f32 to vector<1x256xf32>
    %div3A_20 = arith.divf %div3A_19, %sqrt3A : vector<1x256xf32>
    %swap3A_21 = arith.constant 0 : index
    %swap3A_22 = arith.constant 0 : index
    %swap3A_23 = vector.load %arg2[%swap3A_21, %swap3A_22] : memref<1x256xf32, #tpu.memory_space<vmem>>, vector<1x256xf32>
    tpu.vector_store %arg2[%swap3A_21, %swap3A_22], %div3A_20 {strides = array<i32>} : memref<1x256xf32, #tpu.memory_space<vmem>>, vector<1x256xf32>,
    return
  }
}

module attributes {stable_mosaic.version = 14 : i64} {
  func.func @_bn_body(%arg0: i32, %arg1: memref<512x256xf32, #tpu.memory_space<vmem>>, %arg2: memref<1x256xf32, #tpu.memory_space<vmem>>, %arg3: memref<1x256xf32, #tpu.memory_space<vmem>>, %arg4: memref<1x256xf32, #tpu.memory_space<vmem>>, %arg5: memref<1x256xf32, #tpu.memory_space<vmem>>, %arg6: memref<512x256xf32, #tpu.memory_space<vmem>>) attributes {dimension_semantics = [#tpu.dimension_semantics<arbitrary>], iteration_bounds = array<i64: 8>, scalar_prefetch = 0 : i64, scratch_operands = 0 : i64, tpu.core_type = #tpu.core_type<tc>, window_params = [{transform_indices = @transform_0, window_bounds = array<i64: 512, 256>}, {pipeline_mode = #tpu.pipeline_mode<synchronous>, transform_indices = @transform_1, window_bounds = array<i64: 1, 256>}, {pipeline_mode = #tpu.pipeline_mode<synchronous>, transform_indices = @transform_2, window_bounds = array<i64: 1, 256>}, {pipeline_mode = #tpu.pipeline_mode<synchronous>, transform_indices = @transform_3, window_bounds = array<i64: 1, 256>}, {pipeline_mode = #tpu.pipeline_mode<synchronous>, transform_indices = @transform_4, window_bounds = array<i64: 1, 256>}, {transform_indices = @transform_5, window_bounds = array<i64: 512, 256>}]} {
    %get3A = arith.constant 0 : index
    %get3A_0 = arith.constant 0 : index
    %get3A_1 = vector.load %arg4[%get3A, %get3A_0] : memref<1x256xf32, #tpu.memory_space<vmem>>, vector<1x256xf32>
    %get3A_2 = arith.constant 0 : index
    %get3A_3 = arith.constant 0 : index
    %get3A_4 = vector.load %arg1[%get3A_2, %get3A_3] : memref<512x256xf32, #tpu.memory_space<vmem>>, vector<512x256xf32>
    %get3A_5 = arith.constant 0 : index
    %get3A_6 = arith.constant 0 : index
    %get3A_7 = vector.load %arg2[%get3A_5, %get3A_6] : memref<1x256xf32, #tpu.memory_space<vmem>>, vector<1x256xf32>
    %sub3A = vector.broadcast %get3A_7 : vector<1x256xf32> to vector<512x256xf32>
    %sub3A_8 = arith.subf %get3A_4, %sub3A : vector<512x256xf32>
    %mul3A = vector.broadcast %get3A_1 : vector<1x256xf32> to vector<512x256xf32>
    %mul3A_9 = arith.mulf %mul3A, %sub3A_8 : vector<512x256xf32>
    %get3A_10 = arith.constant 0 : index
    %get3A_11 = arith.constant 0 : index
    %get3A_12 = vector.load %arg3[%get3A_10, %get3A_11] : memref<1x256xf32, #tpu.memory_space<vmem>>, vector<1x256xf32>
    %mul3A_13 = vector.broadcast %get3A_12 : vector<1x256xf32> to vector<512x256xf32>
    %mul3A_14 = arith.mulf %mul3A_9, %mul3A_13 : vector<512x256xf32>
    %get3A_15 = arith.constant 0 : index
    %get3A_16 = arith.constant 0 : index
    %get3A_17 = vector.load %arg5[%get3A_15, %get3A_16] : memref<1x256xf32, #tpu.memory_space<vmem>>, vector<1x256xf32>
    %add3A = vector.broadcast %get3A_17 : vector<1x256xf32> to vector<512x256xf32>
    %add3A_18 = arith.addf %mul3A_14, %add3A : vector<512x256xf32>
    %swap3A = arith.constant 0 : index
    %swap3A_19 = arith.constant 0 : index
    %swap3A_20 = vector.load %arg6[%swap3A, %swap3A_19] : memref<512x256xf32, #tpu.memory_space<vmem>>, vector<512x256xf32>
    tpu.vector_store %arg6[%swap3A, %swap3A_19], %add3A_18 {strides = array<i32>} : memref<512x256xf32, #tpu.memory_space<vmem>>, vector<512x256xf32>,
    return
  }
  func.func @transform_0(%arg0: i32) -> (i32, i32) {
    %c0_i32 = arith.constant 0 : i32
    %c0_i32_0 = arith.constant 0 : i32
    return %arg0, %c0_i32 : i32, i32
  }
  func.func @transform_1(%arg0: i32) -> (i32, i32) {
    %c0_i32 = arith.constant 0 : i32
    %c0_i32_0 = arith.constant 0 : i32
    %c0_i32_1 = arith.constant 0 : i32
    return %c0_i32, %c0_i32_0 : i32, i32
  }
  func.func @transform_2(%arg0: i32) -> (i32, i32) {
    %c0_i32 = arith.constant 0 : i32
    %c0_i32_0 = arith.constant 0 : i32
    %c0_i32_1 = arith.constant 0 : i32
    return %c0_i32, %c0_i32_0 : i32, i32
  }
  func.func @transform_3(%arg0: i32) -> (i32, i32) {
    %c0_i32 = arith.constant 0 : i32
    %c0_i32_0 = arith.constant 0 : i32
    %c0_i32_1 = arith.constant 0 : i32
    return %c0_i32, %c0_i32_0 : i32, i32
  }
  func.func @transform_4(%arg0: i32) -> (i32, i32) {
    %c0_i32 = arith.constant 0 : i32
    %c0_i32_0 = arith.constant 0 : i32
    %c0_i32_1 = arith.constant 0 : i32
    return %c0_i32, %c0_i32_0 : i32, i32
  }
  func.func @transform_5(%arg0: i32) -> (i32, i32) {
    %c0_i32 = arith.constant 0 : i32
    %c0_i32_0 = arith.constant 0 : i32
    return %arg0, %c0_i32 : i32, i32
  }
}

module attributes {stable_mosaic.version = 14 : i64} {
  func.func @_pack_body(%arg0: i32, %arg1: memref<512x4096xi32, #tpu.memory_space<vmem>>, %arg2: memref<1x128xi32, #tpu.memory_space<vmem>>, %arg3: memref<512x4096xi8, #tpu.memory_space<vmem>>, %arg4: memref<512x1xf32, #tpu.memory_space<vmem>>) attributes {dimension_semantics = [#tpu.dimension_semantics<arbitrary>], iteration_bounds = array<i64: 8>, scalar_prefetch = 0 : i64, scratch_operands = 0 : i64, tpu.core_type = #tpu.core_type<tc>, window_params = [{transform_indices = @transform_0, window_bounds = array<i64: 512, 4096>}, {pipeline_mode = #tpu.pipeline_mode<synchronous>, transform_indices = @transform_1, window_bounds = array<i64: 1, 128>}, {transform_indices = @transform_2, window_bounds = array<i64: 512, 4096>}, {transform_indices = @transform_3, window_bounds = array<i64: 512, 1>}]} {
    %get3A = arith.constant 0 : index
    %get3A_0 = arith.constant 0 : index
    %get3A_1 = vector.load %arg2[%get3A, %get3A_0] : memref<1x128xi32, #tpu.memory_space<vmem>>, vector<1x1xi32>
    %get3A_2 = vector.extract %get3A_1[0, 0] : i32 from vector<1x1xi32>
    %get3A_3 = arith.constant 0 : index
    %get3A_4 = arith.constant 0 : index
    %get3A_5 = vector.load %arg1[%get3A_3, %get3A_4] : memref<512x4096xi32, #tpu.memory_space<vmem>>, vector<512x4096xi32>
    %ge3A = vector.broadcast %get3A_2 : i32 to vector<512x4096xi32>
    %ge3A_6 = arith.cmpi sge, %get3A_5, %ge3A : vector<512x4096xi32>
    %convert_element_type3A = arith.extui %ge3A_6 : vector<512x4096xi1> to vector<512x4096xi8>
    %swap3A = arith.constant 0 : index
    %swap3A_7 = arith.constant 0 : index
    %swap3A_8 = vector.load %arg3[%swap3A, %swap3A_7] : memref<512x4096xi8, #tpu.memory_space<vmem>>, vector<512x4096xi8>
    tpu.vector_store %arg3[%swap3A, %swap3A_7], %convert_element_type3A {strides = array<i32>} : memref<512x4096xi8, #tpu.memory_space<vmem>>, vector<512x4096xi8>,
    %convert_element_type3A_9 = arith.extui %ge3A_6 : vector<512x4096xi1> to vector<512x4096xi32>
    %convert_element_type3A_10 = arith.sitofp %convert_element_type3A_9 : vector<512x4096xi32> to vector<512x4096xf32>
    %reduce_sum3A = arith.constant dense<0.000000e+00> : vector<512xf32>
    %reduce_sum3A_11 = vector.multi_reduction <add>, %convert_element_type3A_10, %reduce_sum3A [1] : vector<512x4096xf32> to vector<512xf32>
    %broadcast_in_dim3A = vector.shape_cast %reduce_sum3A_11 : vector<512xf32> to vector<512x1xf32>
    %max3A = arith.constant 1.000000e+00 : f32
    %max3A_12 = vector.broadcast %max3A : f32 to vector<512x1xf32>
    %max3A_13 = arith.maximumf %broadcast_in_dim3A, %max3A_12 : vector<512x1xf32>
    %swap3A_14 = arith.constant 0 : index
    %swap3A_15 = arith.constant 0 : index
    %swap3A_16 = vector.load %arg4[%swap3A_14, %swap3A_15] : memref<512x1xf32, #tpu.memory_space<vmem>>, vector<512x1xf32>
    tpu.vector_store %arg4[%swap3A_14, %swap3A_15], %max3A_13 {strides = array<i32>} : memref<512x1xf32, #tpu.memory_space<vmem>>, vector<512x1xf32>,
    return
  }
  func.func @transform_0(%arg0: i32) -> (i32, i32) {
    %c0_i32 = arith.constant 0 : i32
    %c0_i32_0 = arith.constant 0 : i32
    return %arg0, %c0_i32 : i32, i32
  }
  func.func @transform_1(%arg0: i32) -> (i32, i32) {
    %c0_i32 = arith.constant 0 : i32
    %c0_i32_0 = arith.constant 0 : i32
    %c0_i32_1 = arith.constant 0 : i32
    return %c0_i32, %c0_i32_0 : i32, i32
  }
  func.func @transform_2(%arg0: i32) -> (i32, i32) {
    %c0_i32 = arith.constant 0 : i32
    %c0_i32_0 = arith.constant 0 : i32
    return %arg0, %c0_i32 : i32, i32
  }
  func.func @transform_3(%arg0: i32) -> (i32, i32) {
    %c0_i32 = arith.constant 0 : i32
    %c0_i32_0 = arith.constant 0 : i32
    return %arg0, %c0_i32 : i32, i32
  }
}

module attributes {stable_mosaic.version = 14 : i64} {
  func.func @pick_body(%arg0: memref<32x257x128xi32, #tpu.memory_space<vmem>>, %arg1: memref<16xi32, #tpu.memory_space<vmem>>, %arg2: memref<16xi32, #tpu.memory_space<vmem>>, %arg3: memref<1x128xi32, #tpu.memory_space<vmem>>) attributes {dimension_semantics = [], scalar_prefetch = 0 : i64, scratch_operands = 0 : i64, tpu.core_type = #tpu.core_type<tc>} {
    %get3A = arith.constant 0 : index
    %get3A_0 = arith.constant 0 : index
    %get3A_1 = arith.constant 0 : index
    %get3A_2 = vector.load %arg0[%get3A, %get3A_0, %get3A_1] : memref<32x257x128xi32, #tpu.memory_space<vmem>>, vector<1x257x128xi32>
    %get3A_3 = vector.shape_cast %get3A_2 : vector<1x257x128xi32> to vector<257x128xi32>
    %get3A_4 = arith.constant 1 : index
    %get3A_5 = arith.constant 0 : index
    %get3A_6 = arith.constant 0 : index
    %get3A_7 = vector.load %arg0[%get3A_4, %get3A_5, %get3A_6] : memref<32x257x128xi32, #tpu.memory_space<vmem>>, vector<1x257x128xi32>
    %get3A_8 = vector.shape_cast %get3A_7 : vector<1x257x128xi32> to vector<257x128xi32>
    %add3A = arith.addi %get3A_3, %get3A_8 : vector<257x128xi32>
    %get3A_9 = arith.constant 2 : index
    %get3A_10 = arith.constant 0 : index
    %get3A_11 = arith.constant 0 : index
    %get3A_12 = vector.load %arg0[%get3A_9, %get3A_10, %get3A_11] : memref<32x257x128xi32, #tpu.memory_space<vmem>>, vector<1x257x128xi32>
    %get3A_13 = vector.shape_cast %get3A_12 : vector<1x257x128xi32> to vector<257x128xi32>
    %add3A_14 = arith.addi %add3A, %get3A_13 : vector<257x128xi32>
    %get3A_15 = arith.constant 3 : index
    %get3A_16 = arith.constant 0 : index
    %get3A_17 = arith.constant 0 : index
    %get3A_18 = vector.load %arg0[%get3A_15, %get3A_16, %get3A_17] : memref<32x257x128xi32, #tpu.memory_space<vmem>>, vector<1x257x128xi32>
    %get3A_19 = vector.shape_cast %get3A_18 : vector<1x257x128xi32> to vector<257x128xi32>
    %add3A_20 = arith.addi %add3A_14, %get3A_19 : vector<257x128xi32>
    %get3A_21 = arith.constant 4 : index
    %get3A_22 = arith.constant 0 : index
    %get3A_23 = arith.constant 0 : index
    %get3A_24 = vector.load %arg0[%get3A_21, %get3A_22, %get3A_23] : memref<32x257x128xi32, #tpu.memory_space<vmem>>, vector<1x257x128xi32>
    %get3A_25 = vector.shape_cast %get3A_24 : vector<1x257x128xi32> to vector<257x128xi32>
    %add3A_26 = arith.addi %add3A_20, %get3A_25 : vector<257x128xi32>
    %get3A_27 = arith.constant 5 : index
    %get3A_28 = arith.constant 0 : index
    %get3A_29 = arith.constant 0 : index
    %get3A_30 = vector.load %arg0[%get3A_27, %get3A_28, %get3A_29] : memref<32x257x128xi32, #tpu.memory_space<vmem>>, vector<1x257x128xi32>
    %get3A_31 = vector.shape_cast %get3A_30 : vector<1x257x128xi32> to vector<257x128xi32>
    %add3A_32 = arith.addi %add3A_26, %get3A_31 : vector<257x128xi32>
    %get3A_33 = arith.constant 6 : index
    %get3A_34 = arith.constant 0 : index
    %get3A_35 = arith.constant 0 : index
    %get3A_36 = vector.load %arg0[%get3A_33, %get3A_34, %get3A_35] : memref<32x257x128xi32, #tpu.memory_space<vmem>>, vector<1x257x128xi32>
    %get3A_37 = vector.shape_cast %get3A_36 : vector<1x257x128xi32> to vector<257x128xi32>
    %add3A_38 = arith.addi %add3A_32, %get3A_37 : vector<257x128xi32>
    %get3A_39 = arith.constant 7 : index
    %get3A_40 = arith.constant 0 : index
    %get3A_41 = arith.constant 0 : index
    %get3A_42 = vector.load %arg0[%get3A_39, %get3A_40, %get3A_41] : memref<32x257x128xi32, #tpu.memory_space<vmem>>, vector<1x257x128xi32>
    %get3A_43 = vector.shape_cast %get3A_42 : vector<1x257x128xi32> to vector<257x128xi32>
    %add3A_44 = arith.addi %add3A_38, %get3A_43 : vector<257x128xi32>
    %get3A_45 = arith.constant 8 : index
    %get3A_46 = arith.constant 0 : index
    %get3A_47 = arith.constant 0 : index
    %get3A_48 = vector.load %arg0[%get3A_45, %get3A_46, %get3A_47] : memref<32x257x128xi32, #tpu.memory_space<vmem>>, vector<1x257x128xi32>
    %get3A_49 = vector.shape_cast %get3A_48 : vector<1x257x128xi32> to vector<257x128xi32>
    %add3A_50 = arith.addi %add3A_44, %get3A_49 : vector<257x128xi32>
    %get3A_51 = arith.constant 9 : index
    %get3A_52 = arith.constant 0 : index
    %get3A_53 = arith.constant 0 : index
    %get3A_54 = vector.load %arg0[%get3A_51, %get3A_52, %get3A_53] : memref<32x257x128xi32, #tpu.memory_space<vmem>>, vector<1x257x128xi32>
    %get3A_55 = vector.shape_cast %get3A_54 : vector<1x257x128xi32> to vector<257x128xi32>
    %add3A_56 = arith.addi %add3A_50, %get3A_55 : vector<257x128xi32>
    %get3A_57 = arith.constant 10 : index
    %get3A_58 = arith.constant 0 : index
    %get3A_59 = arith.constant 0 : index
    %get3A_60 = vector.load %arg0[%get3A_57, %get3A_58, %get3A_59] : memref<32x257x128xi32, #tpu.memory_space<vmem>>, vector<1x257x128xi32>
    %get3A_61 = vector.shape_cast %get3A_60 : vector<1x257x128xi32> to vector<257x128xi32>
    %add3A_62 = arith.addi %add3A_56, %get3A_61 : vector<257x128xi32>
    %get3A_63 = arith.constant 11 : index
    %get3A_64 = arith.constant 0 : index
    %get3A_65 = arith.constant 0 : index
    %get3A_66 = vector.load %arg0[%get3A_63, %get3A_64, %get3A_65] : memref<32x257x128xi32, #tpu.memory_space<vmem>>, vector<1x257x128xi32>
    %get3A_67 = vector.shape_cast %get3A_66 : vector<1x257x128xi32> to vector<257x128xi32>
    %add3A_68 = arith.addi %add3A_62, %get3A_67 : vector<257x128xi32>
    %get3A_69 = arith.constant 12 : index
    %get3A_70 = arith.constant 0 : index
    %get3A_71 = arith.constant 0 : index
    %get3A_72 = vector.load %arg0[%get3A_69, %get3A_70, %get3A_71] : memref<32x257x128xi32, #tpu.memory_space<vmem>>, vector<1x257x128xi32>
    %get3A_73 = vector.shape_cast %get3A_72 : vector<1x257x128xi32> to vector<257x128xi32>
    %add3A_74 = arith.addi %add3A_68, %get3A_73 : vector<257x128xi32>
    %get3A_75 = arith.constant 13 : index
    %get3A_76 = arith.constant 0 : index
    %get3A_77 = arith.constant 0 : index
    %get3A_78 = vector.load %arg0[%get3A_75, %get3A_76, %get3A_77] : memref<32x257x128xi32, #tpu.memory_space<vmem>>, vector<1x257x128xi32>
    %get3A_79 = vector.shape_cast %get3A_78 : vector<1x257x128xi32> to vector<257x128xi32>
    %add3A_80 = arith.addi %add3A_74, %get3A_79 : vector<257x128xi32>
    %get3A_81 = arith.constant 14 : index
    %get3A_82 = arith.constant 0 : index
    %get3A_83 = arith.constant 0 : index
    %get3A_84 = vector.load %arg0[%get3A_81, %get3A_82, %get3A_83] : memref<32x257x128xi32, #tpu.memory_space<vmem>>, vector<1x257x128xi32>
    %get3A_85 = vector.shape_cast %get3A_84 : vector<1x257x128xi32> to vector<257x128xi32>
    %add3A_86 = arith.addi %add3A_80, %get3A_85 : vector<257x128xi32>
    %get3A_87 = arith.constant 15 : index
    %get3A_88 = arith.constant 0 : index
    %get3A_89 = arith.constant 0 : index
    %get3A_90 = vector.load %arg0[%get3A_87, %get3A_88, %get3A_89] : memref<32x257x128xi32, #tpu.memory_space<vmem>>, vector<1x257x128xi32>
    %get3A_91 = vector.shape_cast %get3A_90 : vector<1x257x128xi32> to vector<257x128xi32>
    %add3A_92 = arith.addi %add3A_86, %get3A_91 : vector<257x128xi32>
    %get3A_93 = arith.constant 16 : index
    %get3A_94 = arith.constant 0 : index
    %get3A_95 = arith.constant 0 : index
    %get3A_96 = vector.load %arg0[%get3A_93, %get3A_94, %get3A_95] : memref<32x257x128xi32, #tpu.memory_space<vmem>>, vector<1x257x128xi32>
    %get3A_97 = vector.shape_cast %get3A_96 : vector<1x257x128xi32> to vector<257x128xi32>
    %add3A_98 = arith.addi %add3A_92, %get3A_97 : vector<257x128xi32>
    %get3A_99 = arith.constant 17 : index
    %get3A_100 = arith.constant 0 : index
    %get3A_101 = arith.constant 0 : index
    %get3A_102 = vector.load %arg0[%get3A_99, %get3A_100, %get3A_101] : memref<32x257x128xi32, #tpu.memory_space<vmem>>, vector<1x257x128xi32>
    %get3A_103 = vector.shape_cast %get3A_102 : vector<1x257x128xi32> to vector<257x128xi32>
    %add3A_104 = arith.addi %add3A_98, %get3A_103 : vector<257x128xi32>
    %get3A_105 = arith.constant 18 : index
    %get3A_106 = arith.constant 0 : index
    %get3A_107 = arith.constant 0 : index
    %get3A_108 = vector.load %arg0[%get3A_105, %get3A_106, %get3A_107] : memref<32x257x128xi32, #tpu.memory_space<vmem>>, vector<1x257x128xi32>
    %get3A_109 = vector.shape_cast %get3A_108 : vector<1x257x128xi32> to vector<257x128xi32>
    %add3A_110 = arith.addi %add3A_104, %get3A_109 : vector<257x128xi32>
    %get3A_111 = arith.constant 19 : index
    %get3A_112 = arith.constant 0 : index
    %get3A_113 = arith.constant 0 : index
    %get3A_114 = vector.load %arg0[%get3A_111, %get3A_112, %get3A_113] : memref<32x257x128xi32, #tpu.memory_space<vmem>>, vector<1x257x128xi32>
    %get3A_115 = vector.shape_cast %get3A_114 : vector<1x257x128xi32> to vector<257x128xi32>
    %add3A_116 = arith.addi %add3A_110, %get3A_115 : vector<257x128xi32>
    %get3A_117 = arith.constant 20 : index
    %get3A_118 = arith.constant 0 : index
    %get3A_119 = arith.constant 0 : index
    %get3A_120 = vector.load %arg0[%get3A_117, %get3A_118, %get3A_119] : memref<32x257x128xi32, #tpu.memory_space<vmem>>, vector<1x257x128xi32>
    %get3A_121 = vector.shape_cast %get3A_120 : vector<1x257x128xi32> to vector<257x128xi32>
    %add3A_122 = arith.addi %add3A_116, %get3A_121 : vector<257x128xi32>
    %get3A_123 = arith.constant 21 : index
    %get3A_124 = arith.constant 0 : index
    %get3A_125 = arith.constant 0 : index
    %get3A_126 = vector.load %arg0[%get3A_123, %get3A_124, %get3A_125] : memref<32x257x128xi32, #tpu.memory_space<vmem>>, vector<1x257x128xi32>
    %get3A_127 = vector.shape_cast %get3A_126 : vector<1x257x128xi32> to vector<257x128xi32>
    %add3A_128 = arith.addi %add3A_122, %get3A_127 : vector<257x128xi32>
    %get3A_129 = arith.constant 22 : index
    %get3A_130 = arith.constant 0 : index
    %get3A_131 = arith.constant 0 : index
    %get3A_132 = vector.load %arg0[%get3A_129, %get3A_130, %get3A_131] : memref<32x257x128xi32, #tpu.memory_space<vmem>>, vector<1x257x128xi32>
    %get3A_133 = vector.shape_cast %get3A_132 : vector<1x257x128xi32> to vector<257x128xi32>
    %add3A_134 = arith.addi %add3A_128, %get3A_133 : vector<257x128xi32>
    %get3A_135 = arith.constant 23 : index
    %get3A_136 = arith.constant 0 : index
    %get3A_137 = arith.constant 0 : index
    %get3A_138 = vector.load %arg0[%get3A_135, %get3A_136, %get3A_137] : memref<32x257x128xi32, #tpu.memory_space<vmem>>, vector<1x257x128xi32>
    %get3A_139 = vector.shape_cast %get3A_138 : vector<1x257x128xi32> to vector<257x128xi32>
    %add3A_140 = arith.addi %add3A_134, %get3A_139 : vector<257x128xi32>
    %get3A_141 = arith.constant 24 : index
    %get3A_142 = arith.constant 0 : index
    %get3A_143 = arith.constant 0 : index
    %get3A_144 = vector.load %arg0[%get3A_141, %get3A_142, %get3A_143] : memref<32x257x128xi32, #tpu.memory_space<vmem>>, vector<1x257x128xi32>
    %get3A_145 = vector.shape_cast %get3A_144 : vector<1x257x128xi32> to vector<257x128xi32>
    %add3A_146 = arith.addi %add3A_140, %get3A_145 : vector<257x128xi32>
    %get3A_147 = arith.constant 25 : index
    %get3A_148 = arith.constant 0 : index
    %get3A_149 = arith.constant 0 : index
    %get3A_150 = vector.load %arg0[%get3A_147, %get3A_148, %get3A_149] : memref<32x257x128xi32, #tpu.memory_space<vmem>>, vector<1x257x128xi32>
    %get3A_151 = vector.shape_cast %get3A_150 : vector<1x257x128xi32> to vector<257x128xi32>
    %add3A_152 = arith.addi %add3A_146, %get3A_151 : vector<257x128xi32>
    %get3A_153 = arith.constant 26 : index
    %get3A_154 = arith.constant 0 : index
    %get3A_155 = arith.constant 0 : index
    %get3A_156 = vector.load %arg0[%get3A_153, %get3A_154, %get3A_155] : memref<32x257x128xi32, #tpu.memory_space<vmem>>, vector<1x257x128xi32>
    %get3A_157 = vector.shape_cast %get3A_156 : vector<1x257x128xi32> to vector<257x128xi32>
    %add3A_158 = arith.addi %add3A_152, %get3A_157 : vector<257x128xi32>
    %get3A_159 = arith.constant 27 : index
    %get3A_160 = arith.constant 0 : index
    %get3A_161 = arith.constant 0 : index
    %get3A_162 = vector.load %arg0[%get3A_159, %get3A_160, %get3A_161] : memref<32x257x128xi32, #tpu.memory_space<vmem>>, vector<1x257x128xi32>
    %get3A_163 = vector.shape_cast %get3A_162 : vector<1x257x128xi32> to vector<257x128xi32>
    %add3A_164 = arith.addi %add3A_158, %get3A_163 : vector<257x128xi32>
    %get3A_165 = arith.constant 28 : index
    %get3A_166 = arith.constant 0 : index
    %get3A_167 = arith.constant 0 : index
    %get3A_168 = vector.load %arg0[%get3A_165, %get3A_166, %get3A_167] : memref<32x257x128xi32, #tpu.memory_space<vmem>>, vector<1x257x128xi32>
    %get3A_169 = vector.shape_cast %get3A_168 : vector<1x257x128xi32> to vector<257x128xi32>
    %add3A_170 = arith.addi %add3A_164, %get3A_169 : vector<257x128xi32>
    %get3A_171 = arith.constant 29 : index
    %get3A_172 = arith.constant 0 : index
    %get3A_173 = arith.constant 0 : index
    %get3A_174 = vector.load %arg0[%get3A_171, %get3A_172, %get3A_173] : memref<32x257x128xi32, #tpu.memory_space<vmem>>, vector<1x257x128xi32>
    %get3A_175 = vector.shape_cast %get3A_174 : vector<1x257x128xi32> to vector<257x128xi32>
    %add3A_176 = arith.addi %add3A_170, %get3A_175 : vector<257x128xi32>
    %get3A_177 = arith.constant 30 : index
    %get3A_178 = arith.constant 0 : index
    %get3A_179 = arith.constant 0 : index
    %get3A_180 = vector.load %arg0[%get3A_177, %get3A_178, %get3A_179] : memref<32x257x128xi32, #tpu.memory_space<vmem>>, vector<1x257x128xi32>
    %get3A_181 = vector.shape_cast %get3A_180 : vector<1x257x128xi32> to vector<257x128xi32>
    %add3A_182 = arith.addi %add3A_176, %get3A_181 : vector<257x128xi32>
    %get3A_183 = arith.constant 31 : index
    %get3A_184 = arith.constant 0 : index
    %get3A_185 = arith.constant 0 : index
    %get3A_186 = vector.load %arg0[%get3A_183, %get3A_184, %get3A_185] : memref<32x257x128xi32, #tpu.memory_space<vmem>>, vector<1x257x128xi32>
    %get3A_187 = vector.shape_cast %get3A_186 : vector<1x257x128xi32> to vector<257x128xi32>
    %add3A_188 = arith.addi %add3A_182, %get3A_187 : vector<257x128xi32>
    %convert_element_type3A = arith.sitofp %add3A_188 : vector<257x128xi32> to vector<257x128xf32>
    %iota3A = tpu.iota {dimensions = array<i32: 0>} : vector<128x128xi32>
    %iota3A_189 = tpu.iota {dimensions = array<i32: 1>} : vector<128x128xi32>
    %ge3A = arith.cmpi sge, %iota3A, %iota3A_189 : vector<128x128xi32>
    %convert_element_type3A_190 = arith.extui %ge3A : vector<128x128xi1> to vector<128x128xi32>
    %convert_element_type3A_191 = arith.sitofp %convert_element_type3A_190 : vector<128x128xi32> to vector<128x128xf32>
    %dot_general3A = arith.constant dense<0.000000e+00> : vector<257x128xf32>
    %dot_general3A_192 = tpu.matmul %convert_element_type3A, %convert_element_type3A_191, %dot_general3A {dimension_numbers = #tpu.dot_dimension_numbers<[1], [0], [0], [1], [0, 0, 1, 1], [], []>, transpose_lhs_hint = false} : vector<257x128xf32>, vector<128x128xf32>, vector<257x128xf32> -> vector<257x128xf32>
    %iota3A_193 = tpu.iota {dimensions = array<i32: 0>} : vector<257x257xi32>
    %iota3A_194 = tpu.iota {dimensions = array<i32: 1>} : vector<257x257xi32>
    %gt3A = arith.cmpi sgt, %iota3A_194, %iota3A_193 : vector<257x257xi32>
    %convert_element_type3A_195 = arith.extui %gt3A : vector<257x257xi1> to vector<257x257xi32>
    %convert_element_type3A_196 = arith.sitofp %convert_element_type3A_195 : vector<257x257xi32> to vector<257x257xf32>
    %dot_general3A_197 = arith.constant dense<0.000000e+00> : vector<257x128xf32>
    %dot_general3A_198 = tpu.matmul %convert_element_type3A_196, %convert_element_type3A, %dot_general3A_197 {dimension_numbers = #tpu.dot_dimension_numbers<[1], [0], [0], [1], [0, 0, 1, 1], [], []>, transpose_lhs_hint = false} : vector<257x257xf32>, vector<257x128xf32>, vector<257x128xf32> -> vector<257x128xf32>
    %reduce_sum3A = arith.constant dense<0.000000e+00> : vector<257xf32>
    %reduce_sum3A_199 = vector.multi_reduction <add>, %dot_general3A_198, %reduce_sum3A [1] : vector<257x128xf32> to vector<257xf32>
    %broadcast_in_dim3A = vector.shape_cast %reduce_sum3A_199 : vector<257xf32> to vector<257x1xf32>
    %add3A_200 = vector.broadcast %broadcast_in_dim3A : vector<257x1xf32> to vector<257x128xf32>
    %add3A_201 = arith.addf %dot_general3A_192, %add3A_200 : vector<257x128xf32>
    %iota3A_202 = tpu.iota {dimensions = array<i32: 0>} : vector<257x128xi32>
    %iota3A_203 = tpu.iota {dimensions = array<i32: 1>} : vector<257x128xi32>
    %mul3A = arith.constant 128 : i32
    %mul3A_204 = vector.broadcast %mul3A : i32 to vector<257x128xi32>
    %mul3A_205 = arith.muli %iota3A_202, %mul3A_204 : vector<257x128xi32>
    %add3A_206 = arith.addi %mul3A_205, %iota3A_203 : vector<257x128xi32>
    %convert_element_type3A_207 = arith.sitofp %add3A_206 : vector<257x128xi32> to vector<257x128xf32>
    %ge3A_208 = arith.constant 8.388620e+05 : f32
    %ge3A_209 = vector.broadcast %ge3A_208 : f32 to vector<257x128xf32>
    %ge3A_210 = arith.cmpf oge, %add3A_201, %ge3A_209 : vector<257x128xf32>
    %jit3A = arith.constant -1.000000e+00 : f32
    %broadcast_in_dim3A_211 = vector.broadcast %jit3A : f32 to vector<257x128xf32>
    %select_n3A = arith.select %ge3A_210, %convert_element_type3A_207, %broadcast_in_dim3A_211 : vector<257x128xi1>, vector<257x128xf32>
    %reduce_max3A = vector.shape_cast %select_n3A : vector<257x128xf32> to vector<1x257x128xf32>
    %reduce_max3A_212 = arith.constant dense<0xFF800000> : vector<1xf32>
    %reduce_max3A_213 = vector.multi_reduction <maximumf>, %reduce_max3A, %reduce_max3A_212 [1, 2] : vector<1x257x128xf32> to vector<1xf32>
    %reduce_max3A_214 = vector.shape_cast %reduce_max3A_213 : vector<1xf32> to vector<1x1x1xf32>
    %reduce_max3A_215 = vector.extract %reduce_max3A_214[0, 0, 0] : f32 from vector<1x1x1xf32>
    %convert_element_type3A_216 = arith.fptosi %reduce_max3A_215 : f32 to i32
    %get3A_217 = arith.constant 0 : index
    %get3A_218 = vector.load %arg1[%get3A_217] : memref<16xi32, #tpu.memory_space<vmem>>, vector<1xi32>
    %get3A_219 = vector.extract %get3A_218[0] : i32 from vector<1xi32>
    %sub3A = arith.constant 1 : i32
    %sub3A_220 = arith.subi %convert_element_type3A_216, %sub3A : i32
    %add3A_221 = arith.addi %get3A_219, %sub3A_220 : i32
    %broadcast_in_dim3A_222 = vector.broadcast %add3A_221 : i32 to vector<16xi32>
    %swap3A = arith.constant 0 : index
    %swap3A_223 = vector.load %arg2[%swap3A] : memref<16xi32, #tpu.memory_space<vmem>>, vector<16xi32>
    tpu.vector_store %arg2[%swap3A], %broadcast_in_dim3A_222 {strides = array<i32>} : memref<16xi32, #tpu.memory_space<vmem>>, vector<16xi32>,
    %broadcast_in_dim3A_224 = vector.broadcast %add3A_221 : i32 to vector<1x128xi32>
    %swap3A_225 = arith.constant 0 : index
    %swap3A_226 = arith.constant 0 : index
    %swap3A_227 = vector.load %arg3[%swap3A_225, %swap3A_226] : memref<1x128xi32, #tpu.memory_space<vmem>>, vector<1x128xi32>
    tpu.vector_store %arg3[%swap3A_225, %swap3A_226], %broadcast_in_dim3A_224 {strides = array<i32>} : memref<1x128xi32, #tpu.memory_space<vmem>>, vector<1x128xi32>,
    return
  }
}

module attributes {stable_mosaic.version = 14 : i64} {
  func.func @body(%arg0: i32, %arg1: i32, %arg2: memref<512x512xi8, #tpu.memory_space<vmem>>, %arg3: memref<512x256xf32, #tpu.memory_space<vmem>>, %arg4: memref<512x256xf32, #tpu.memory_space<vmem>>, %arg5: memref<512x1xf32, #tpu.memory_space<vmem>>, %arg6: memref<256x256xf32, #tpu.memory_space<vmem>>, %arg7: memref<1x256xf32, #tpu.memory_space<vmem>>, %arg8: memref<256x256xf32, #tpu.memory_space<vmem>>, %arg9: memref<512x256xf32, #tpu.memory_space<vmem>>) attributes {dimension_semantics = [#tpu.dimension_semantics<arbitrary>, #tpu.dimension_semantics<arbitrary>], iteration_bounds = array<i64: 8, 8>, scalar_prefetch = 0 : i64, scratch_operands = 0 : i64, tpu.core_type = #tpu.core_type<tc>, window_params = [{transform_indices = @transform_0, window_bounds = array<i64: 512, 512>}, {transform_indices = @transform_1, window_bounds = array<i64: 512, 256>}, {transform_indices = @transform_2, window_bounds = array<i64: 512, 256>}, {transform_indices = @transform_3, window_bounds = array<i64: 512, 1>}, {pipeline_mode = #tpu.pipeline_mode<synchronous>, transform_indices = @transform_4, window_bounds = array<i64: 256, 256>}, {pipeline_mode = #tpu.pipeline_mode<synchronous>, transform_indices = @transform_5, window_bounds = array<i64: 1, 256>}, {pipeline_mode = #tpu.pipeline_mode<synchronous>, transform_indices = @transform_6, window_bounds = array<i64: 256, 256>}, {transform_indices = @transform_7, window_bounds = array<i64: 512, 256>}]} {
    %get3A = arith.constant 0 : index
    %get3A_0 = arith.constant 0 : index
    %get3A_1 = vector.load %arg2[%get3A, %get3A_0] : memref<512x512xi8, #tpu.memory_space<vmem>>, vector<512x512xi8>
    %convert_element_type3A = arith.sitofp %get3A_1 : vector<512x512xi8> to vector<512x512xf32>
    %get3A_2 = arith.constant 0 : index
    %get3A_3 = arith.constant 0 : index
    %get3A_4 = vector.load %arg3[%get3A_2, %get3A_3] : memref<512x256xf32, #tpu.memory_space<vmem>>, vector<512x256xf32>
    %dot_general3A = arith.constant dense<0.000000e+00> : vector<512x256xf32>
    %dot_general3A_5 = tpu.matmul %convert_element_type3A, %get3A_4, %dot_general3A {dimension_numbers = #tpu.dot_dimension_numbers<[1], [0], [0], [1], [0, 0, 1, 1], [], []>, transpose_lhs_hint = false} : vector<512x512xf32>, vector<512x256xf32>, vector<512x256xf32> -> vector<512x256xf32>
    %eq3A = arith.constant 0 : i32
    %eq3A_6 = arith.cmpi eq, %arg1, %eq3A : i32
    %convert_element_type3A_7 = arith.extui %eq3A_6 : i1 to i32
    %cond3A = arith.constant 0 : i32
    %cond3A_8 = arith.cmpi ne, %convert_element_type3A_7, %cond3A : i32
    scf.if %cond3A_8 {
      %swap3A = arith.constant 0 : index
      %swap3A_18 = arith.constant 0 : index
      %swap3A_19 = vector.load %arg9[%swap3A, %swap3A_18] : memref<512x256xf32, #tpu.memory_space<vmem>>, vector<512x256xf32>
      tpu.vector_store %arg9[%swap3A, %swap3A_18], %dot_general3A_5 {strides = array<i32>} : memref<512x256xf32, #tpu.memory_space<vmem>>, vector<512x256xf32>,
    } else {
    }
    %gt3A = arith.constant 0 : i32
    %gt3A_9 = arith.cmpi sgt, %arg1, %gt3A : i32
    %convert_element_type3A_10 = arith.extui %gt3A_9 : i1 to i32
    %cond3A_11 = arith.constant 0 : i32
    %cond3A_12 = arith.cmpi ne, %convert_element_type3A_10, %cond3A_11 : i32
    scf.if %cond3A_12 {
      %get3A_18 = arith.constant 0 : index
      %get3A_19 = arith.constant 0 : index
      %get3A_20 = vector.load %arg9[%get3A_18, %get3A_19] : memref<512x256xf32, #tpu.memory_space<vmem>>, vector<512x256xf32>
      %add3A = arith.addf %get3A_20, %dot_general3A_5 : vector<512x256xf32>
      %swap3A = arith.constant 0 : index
      %swap3A_21 = arith.constant 0 : index
      %swap3A_22 = vector.load %arg9[%swap3A, %swap3A_21] : memref<512x256xf32, #tpu.memory_space<vmem>>, vector<512x256xf32>
      tpu.vector_store %arg9[%swap3A, %swap3A_21], %add3A {strides = array<i32>} : memref<512x256xf32, #tpu.memory_space<vmem>>, vector<512x256xf32>,
    } else {
    }
    %eq3A_13 = arith.constant 7 : i32
    %eq3A_14 = arith.cmpi eq, %arg1, %eq3A_13 : i32
    %convert_element_type3A_15 = arith.extui %eq3A_14 : i1 to i32
    %cond3A_16 = arith.constant 0 : i32
    %cond3A_17 = arith.cmpi ne, %convert_element_type3A_15, %cond3A_16 : i32
    scf.if %cond3A_17 {
      %get3A_18 = arith.constant 0 : index
      %get3A_19 = arith.constant 0 : index
      %get3A_20 = vector.load %arg9[%get3A_18, %get3A_19] : memref<512x256xf32, #tpu.memory_space<vmem>>, vector<512x256xf32>
      %get3A_21 = arith.constant 0 : index
      %get3A_22 = arith.constant 0 : index
      %get3A_23 = vector.load %arg5[%get3A_21, %get3A_22] : memref<512x1xf32, #tpu.memory_space<vmem>>, vector<512x1xf32>
      %div3A = vector.broadcast %get3A_23 : vector<512x1xf32> to vector<512x256xf32>
      %div3A_24 = arith.divf %get3A_20, %div3A : vector<512x256xf32>
      %get3A_25 = arith.constant 0 : index
      %get3A_26 = arith.constant 0 : index
      %get3A_27 = vector.load %arg6[%get3A_25, %get3A_26] : memref<256x256xf32, #tpu.memory_space<vmem>>, vector<256x256xf32>
      %dot_general3A_28 = arith.constant dense<0.000000e+00> : vector<512x256xf32>
      %dot_general3A_29 = tpu.matmul %div3A_24, %get3A_27, %dot_general3A_28 {dimension_numbers = #tpu.dot_dimension_numbers<[1], [1], [0], [0], [0, 0, 1, 0], [], []>, transpose_lhs_hint = false} : vector<512x256xf32>, vector<256x256xf32>, vector<512x256xf32> -> vector<512x256xf32>
      %get3A_30 = arith.constant 0 : index
      %get3A_31 = arith.constant 0 : index
      %get3A_32 = vector.load %arg7[%get3A_30, %get3A_31] : memref<1x256xf32, #tpu.memory_space<vmem>>, vector<1x256xf32>
      %add3A = vector.broadcast %get3A_32 : vector<1x256xf32> to vector<512x256xf32>
      %add3A_33 = arith.addf %dot_general3A_29, %add3A : vector<512x256xf32>
      %get3A_34 = arith.constant 0 : index
      %get3A_35 = arith.constant 0 : index
      %get3A_36 = vector.load %arg4[%get3A_34, %get3A_35] : memref<512x256xf32, #tpu.memory_space<vmem>>, vector<512x256xf32>
      %get3A_37 = arith.constant 0 : index
      %get3A_38 = arith.constant 0 : index
      %get3A_39 = vector.load %arg8[%get3A_37, %get3A_38] : memref<256x256xf32, #tpu.memory_space<vmem>>, vector<256x256xf32>
      %dot_general3A_40 = arith.constant dense<0.000000e+00> : vector<512x256xf32>
      %dot_general3A_41 = tpu.matmul %get3A_36, %get3A_39, %dot_general3A_40 {dimension_numbers = #tpu.dot_dimension_numbers<[1], [1], [0], [0], [0, 0, 1, 0], [], []>, transpose_lhs_hint = false} : vector<512x256xf32>, vector<256x256xf32>, vector<512x256xf32> -> vector<512x256xf32>
      %add3A_42 = arith.addf %add3A_33, %dot_general3A_41 : vector<512x256xf32>
      %max3A = arith.constant 0.000000e+00 : f32
      %max3A_43 = vector.broadcast %max3A : f32 to vector<512x256xf32>
      %max3A_44 = arith.maximumf %add3A_42, %max3A_43 : vector<512x256xf32>
      %swap3A = arith.constant 0 : index
      %swap3A_45 = arith.constant 0 : index
      %swap3A_46 = vector.load %arg9[%swap3A, %swap3A_45] : memref<512x256xf32, #tpu.memory_space<vmem>>, vector<512x256xf32>
      tpu.vector_store %arg9[%swap3A, %swap3A_45], %max3A_44 {strides = array<i32>} : memref<512x256xf32, #tpu.memory_space<vmem>>, vector<512x256xf32>,
    } else {
    }
    return
  }
  func.func @transform_0(%arg0: i32, %arg1: i32) -> (i32, i32) {
    %c0_i32 = arith.constant 0 : i32
    return %arg0, %arg1 : i32, i32
  }
  func.func @transform_1(%arg0: i32, %arg1: i32) -> (i32, i32) {
    %c0_i32 = arith.constant 0 : i32
    %c0_i32_0 = arith.constant 0 : i32
    return %arg1, %c0_i32 : i32, i32
  }
  func.func @transform_2(%arg0: i32, %arg1: i32) -> (i32, i32) {
    %c0_i32 = arith.constant 0 : i32
    %c0_i32_0 = arith.constant 0 : i32
    return %arg0, %c0_i32 : i32, i32
  }
  func.func @transform_3(%arg0: i32, %arg1: i32) -> (i32, i32) {
    %c0_i32 = arith.constant 0 : i32
    %c0_i32_0 = arith.constant 0 : i32
    return %arg0, %c0_i32 : i32, i32
  }
  func.func @transform_4(%arg0: i32, %arg1: i32) -> (i32, i32) {
    %c0_i32 = arith.constant 0 : i32
    %c0_i32_0 = arith.constant 0 : i32
    %c0_i32_1 = arith.constant 0 : i32
    return %c0_i32, %c0_i32_0 : i32, i32
  }
  func.func @transform_5(%arg0: i32, %arg1: i32) -> (i32, i32) {
    %c0_i32 = arith.constant 0 : i32
    %c0_i32_0 = arith.constant 0 : i32
    %c0_i32_1 = arith.constant 0 : i32
    return %c0_i32, %c0_i32_0 : i32, i32
  }
  func.func @transform_6(%arg0: i32, %arg1: i32) -> (i32, i32) {
    %c0_i32 = arith.constant 0 : i32
    %c0_i32_0 = arith.constant 0 : i32
    %c0_i32_1 = arith.constant 0 : i32
    return %c0_i32, %c0_i32_0 : i32, i32
  }
  func.func @transform_7(%arg0: i32, %arg1: i32) -> (i32, i32) {
    %c0_i32 = arith.constant 0 : i32
    %c0_i32_0 = arith.constant 0 : i32
    return %arg0, %c0_i32 : i32, i32
  }
}

module attributes {stable_mosaic.version = 14 : i64} {
  func.func @body(%arg0: i32, %arg1: i32, %arg2: memref<512x512xi8, #tpu.memory_space<vmem>>, %arg3: memref<512x256xf32, #tpu.memory_space<vmem>>, %arg4: memref<512x256xf32, #tpu.memory_space<vmem>>, %arg5: memref<512x1xf32, #tpu.memory_space<vmem>>, %arg6: memref<256x256xf32, #tpu.memory_space<vmem>>, %arg7: memref<1x256xf32, #tpu.memory_space<vmem>>, %arg8: memref<256x256xf32, #tpu.memory_space<vmem>>, %arg9: memref<512x256xf32, #tpu.memory_space<vmem>>, %arg10: memref<512x256xf32, #tpu.memory_space<vmem>>) attributes {dimension_semantics = [#tpu.dimension_semantics<arbitrary>, #tpu.dimension_semantics<arbitrary>], iteration_bounds = array<i64: 8, 8>, scalar_prefetch = 0 : i64, scratch_operands = 0 : i64, tpu.core_type = #tpu.core_type<tc>, window_params = [{transform_indices = @transform_0, window_bounds = array<i64: 512, 512>}, {transform_indices = @transform_1, window_bounds = array<i64: 512, 256>}, {transform_indices = @transform_2, window_bounds = array<i64: 512, 256>}, {transform_indices = @transform_3, window_bounds = array<i64: 512, 1>}, {pipeline_mode = #tpu.pipeline_mode<synchronous>, transform_indices = @transform_4, window_bounds = array<i64: 256, 256>}, {pipeline_mode = #tpu.pipeline_mode<synchronous>, transform_indices = @transform_5, window_bounds = array<i64: 1, 256>}, {pipeline_mode = #tpu.pipeline_mode<synchronous>, transform_indices = @transform_6, window_bounds = array<i64: 256, 256>}, {transform_indices = @transform_7, window_bounds = array<i64: 512, 256>}, {transform_indices = @transform_8, window_bounds = array<i64: 512, 256>}]} {
    %get3A = arith.constant 0 : index
    %get3A_0 = arith.constant 0 : index
    %get3A_1 = vector.load %arg2[%get3A, %get3A_0] : memref<512x512xi8, #tpu.memory_space<vmem>>, vector<512x512xi8>
    %convert_element_type3A = arith.sitofp %get3A_1 : vector<512x512xi8> to vector<512x512xf32>
    %get3A_2 = arith.constant 0 : index
    %get3A_3 = arith.constant 0 : index
    %get3A_4 = vector.load %arg3[%get3A_2, %get3A_3] : memref<512x256xf32, #tpu.memory_space<vmem>>, vector<512x256xf32>
    %dot_general3A = arith.constant dense<0.000000e+00> : vector<512x256xf32>
    %dot_general3A_5 = tpu.matmul %convert_element_type3A, %get3A_4, %dot_general3A {dimension_numbers = #tpu.dot_dimension_numbers<[1], [0], [0], [1], [0, 0, 1, 1], [], []>, transpose_lhs_hint = false} : vector<512x512xf32>, vector<512x256xf32>, vector<512x256xf32> -> vector<512x256xf32>
    %eq3A = arith.constant 0 : i32
    %eq3A_6 = arith.cmpi eq, %arg1, %eq3A : i32
    %convert_element_type3A_7 = arith.extui %eq3A_6 : i1 to i32
    %cond3A = arith.constant 0 : i32
    %cond3A_8 = arith.cmpi ne, %convert_element_type3A_7, %cond3A : i32
    scf.if %cond3A_8 {
      %swap3A = arith.constant 0 : index
      %swap3A_18 = arith.constant 0 : index
      %swap3A_19 = vector.load %arg10[%swap3A, %swap3A_18] : memref<512x256xf32, #tpu.memory_space<vmem>>, vector<512x256xf32>
      tpu.vector_store %arg10[%swap3A, %swap3A_18], %dot_general3A_5 {strides = array<i32>} : memref<512x256xf32, #tpu.memory_space<vmem>>, vector<512x256xf32>,
    } else {
    }
    %gt3A = arith.constant 0 : i32
    %gt3A_9 = arith.cmpi sgt, %arg1, %gt3A : i32
    %convert_element_type3A_10 = arith.extui %gt3A_9 : i1 to i32
    %cond3A_11 = arith.constant 0 : i32
    %cond3A_12 = arith.cmpi ne, %convert_element_type3A_10, %cond3A_11 : i32
    scf.if %cond3A_12 {
      %get3A_18 = arith.constant 0 : index
      %get3A_19 = arith.constant 0 : index
      %get3A_20 = vector.load %arg10[%get3A_18, %get3A_19] : memref<512x256xf32, #tpu.memory_space<vmem>>, vector<512x256xf32>
      %add3A = arith.addf %get3A_20, %dot_general3A_5 : vector<512x256xf32>
      %swap3A = arith.constant 0 : index
      %swap3A_21 = arith.constant 0 : index
      %swap3A_22 = vector.load %arg10[%swap3A, %swap3A_21] : memref<512x256xf32, #tpu.memory_space<vmem>>, vector<512x256xf32>
      tpu.vector_store %arg10[%swap3A, %swap3A_21], %add3A {strides = array<i32>} : memref<512x256xf32, #tpu.memory_space<vmem>>, vector<512x256xf32>,
    } else {
    }
    %eq3A_13 = arith.constant 7 : i32
    %eq3A_14 = arith.cmpi eq, %arg1, %eq3A_13 : i32
    %convert_element_type3A_15 = arith.extui %eq3A_14 : i1 to i32
    %cond3A_16 = arith.constant 0 : i32
    %cond3A_17 = arith.cmpi ne, %convert_element_type3A_15, %cond3A_16 : i32
    scf.if %cond3A_17 {
      %get3A_18 = arith.constant 0 : index
      %get3A_19 = arith.constant 0 : index
      %get3A_20 = vector.load %arg10[%get3A_18, %get3A_19] : memref<512x256xf32, #tpu.memory_space<vmem>>, vector<512x256xf32>
      %get3A_21 = arith.constant 0 : index
      %get3A_22 = arith.constant 0 : index
      %get3A_23 = vector.load %arg5[%get3A_21, %get3A_22] : memref<512x1xf32, #tpu.memory_space<vmem>>, vector<512x1xf32>
      %div3A = vector.broadcast %get3A_23 : vector<512x1xf32> to vector<512x256xf32>
      %div3A_24 = arith.divf %get3A_20, %div3A : vector<512x256xf32>
      %get3A_25 = arith.constant 0 : index
      %get3A_26 = arith.constant 0 : index
      %get3A_27 = vector.load %arg6[%get3A_25, %get3A_26] : memref<256x256xf32, #tpu.memory_space<vmem>>, vector<256x256xf32>
      %dot_general3A_28 = arith.constant dense<0.000000e+00> : vector<512x256xf32>
      %dot_general3A_29 = tpu.matmul %div3A_24, %get3A_27, %dot_general3A_28 {dimension_numbers = #tpu.dot_dimension_numbers<[1], [1], [0], [0], [0, 0, 1, 0], [], []>, transpose_lhs_hint = false} : vector<512x256xf32>, vector<256x256xf32>, vector<512x256xf32> -> vector<512x256xf32>
      %get3A_30 = arith.constant 0 : index
      %get3A_31 = arith.constant 0 : index
      %get3A_32 = vector.load %arg7[%get3A_30, %get3A_31] : memref<1x256xf32, #tpu.memory_space<vmem>>, vector<1x256xf32>
      %add3A = vector.broadcast %get3A_32 : vector<1x256xf32> to vector<512x256xf32>
      %add3A_33 = arith.addf %dot_general3A_29, %add3A : vector<512x256xf32>
      %get3A_34 = arith.constant 0 : index
      %get3A_35 = arith.constant 0 : index
      %get3A_36 = vector.load %arg4[%get3A_34, %get3A_35] : memref<512x256xf32, #tpu.memory_space<vmem>>, vector<512x256xf32>
      %get3A_37 = arith.constant 0 : index
      %get3A_38 = arith.constant 0 : index
      %get3A_39 = vector.load %arg8[%get3A_37, %get3A_38] : memref<256x256xf32, #tpu.memory_space<vmem>>, vector<256x256xf32>
      %dot_general3A_40 = arith.constant dense<0.000000e+00> : vector<512x256xf32>
      %dot_general3A_41 = tpu.matmul %get3A_36, %get3A_39, %dot_general3A_40 {dimension_numbers = #tpu.dot_dimension_numbers<[1], [1], [0], [0], [0, 0, 1, 0], [], []>, transpose_lhs_hint = false} : vector<512x256xf32>, vector<256x256xf32>, vector<512x256xf32> -> vector<512x256xf32>
      %add3A_42 = arith.addf %add3A_33, %dot_general3A_41 : vector<512x256xf32>
      %get3A_43 = arith.constant 0 : index
      %get3A_44 = arith.constant 0 : index
      %get3A_45 = vector.load %arg9[%get3A_43, %get3A_44] : memref<512x256xf32, #tpu.memory_space<vmem>>, vector<512x256xf32>
      %add3A_46 = arith.addf %add3A_42, %get3A_45 : vector<512x256xf32>
      %max3A = arith.constant 0.000000e+00 : f32
      %max3A_47 = vector.broadcast %max3A : f32 to vector<512x256xf32>
      %max3A_48 = arith.maximumf %add3A_46, %max3A_47 : vector<512x256xf32>
      %swap3A = arith.constant 0 : index
      %swap3A_49 = arith.constant 0 : index
      %swap3A_50 = vector.load %arg10[%swap3A, %swap3A_49] : memref<512x256xf32, #tpu.memory_space<vmem>>, vector<512x256xf32>
      tpu.vector_store %arg10[%swap3A, %swap3A_49], %max3A_48 {strides = array<i32>} : memref<512x256xf32, #tpu.memory_space<vmem>>, vector<512x256xf32>,
    } else {
    }
    return
  }
  func.func @transform_0(%arg0: i32, %arg1: i32) -> (i32, i32) {
    %c0_i32 = arith.constant 0 : i32
    return %arg0, %arg1 : i32, i32
  }
  func.func @transform_1(%arg0: i32, %arg1: i32) -> (i32, i32) {
    %c0_i32 = arith.constant 0 : i32
    %c0_i32_0 = arith.constant 0 : i32
    return %arg1, %c0_i32 : i32, i32
  }
  func.func @transform_2(%arg0: i32, %arg1: i32) -> (i32, i32) {
    %c0_i32 = arith.constant 0 : i32
    %c0_i32_0 = arith.constant 0 : i32
    return %arg0, %c0_i32 : i32, i32
  }
  func.func @transform_3(%arg0: i32, %arg1: i32) -> (i32, i32) {
    %c0_i32 = arith.constant 0 : i32
    %c0_i32_0 = arith.constant 0 : i32
    return %arg0, %c0_i32 : i32, i32
  }
  func.func @transform_4(%arg0: i32, %arg1: i32) -> (i32, i32) {
    %c0_i32 = arith.constant 0 : i32
    %c0_i32_0 = arith.constant 0 : i32
    %c0_i32_1 = arith.constant 0 : i32
    return %c0_i32, %c0_i32_0 : i32, i32
  }
  func.func @transform_5(%arg0: i32, %arg1: i32) -> (i32, i32) {
    %c0_i32 = arith.constant 0 : i32
    %c0_i32_0 = arith.constant 0 : i32
    %c0_i32_1 = arith.constant 0 : i32
    return %c0_i32, %c0_i32_0 : i32, i32
  }
  func.func @transform_6(%arg0: i32, %arg1: i32) -> (i32, i32) {
    %c0_i32 = arith.constant 0 : i32
    %c0_i32_0 = arith.constant 0 : i32
    %c0_i32_1 = arith.constant 0 : i32
    return %c0_i32, %c0_i32_0 : i32, i32
  }
  func.func @transform_7(%arg0: i32, %arg1: i32) -> (i32, i32) {
    %c0_i32 = arith.constant 0 : i32
    %c0_i32_0 = arith.constant 0 : i32
    return %arg0, %c0_i32 : i32, i32
  }
  func.func @transform_8(%arg0: i32, %arg1: i32) -> (i32, i32) {
    %c0_i32 = arith.constant 0 : i32
    %c0_i32_0 = arith.constant 0 : i32
    return %arg0, %c0_i32 : i32, i32
  }
}

module attributes {stable_mosaic.version = 14 : i64} {
  func.func @_head_body(%arg0: i32, %arg1: memref<512x256xf32, #tpu.memory_space<vmem>>, %arg2: memref<512x256xf32, #tpu.memory_space<vmem>>, %arg3: memref<128x256xf32, #tpu.memory_space<vmem>>, %arg4: memref<128x256xf32, #tpu.memory_space<vmem>>, %arg5: memref<128x256xf32, #tpu.memory_space<vmem>>, %arg6: memref<512x128xf32, #tpu.memory_space<vmem>>, %arg7: memref<512x128xf32, #tpu.memory_space<vmem>>, %arg8: memref<512x128xf32, #tpu.memory_space<vmem>>) attributes {dimension_semantics = [#tpu.dimension_semantics<arbitrary>], iteration_bounds = array<i64: 8>, scalar_prefetch = 0 : i64, scratch_operands = 0 : i64, tpu.core_type = #tpu.core_type<tc>, window_params = [{transform_indices = @transform_0, window_bounds = array<i64: 512, 256>}, {transform_indices = @transform_1, window_bounds = array<i64: 512, 256>}, {pipeline_mode = #tpu.pipeline_mode<synchronous>, transform_indices = @transform_2, window_bounds = array<i64: 128, 256>}, {pipeline_mode = #tpu.pipeline_mode<synchronous>, transform_indices = @transform_3, window_bounds = array<i64: 128, 256>}, {pipeline_mode = #tpu.pipeline_mode<synchronous>, transform_indices = @transform_4, window_bounds = array<i64: 128, 256>}, {transform_indices = @transform_5, window_bounds = array<i64: 512, 128>}, {transform_indices = @transform_6, window_bounds = array<i64: 512, 128>}, {transform_indices = @transform_7, window_bounds = array<i64: 512, 128>}]} {
    %get3A = arith.constant 0 : index
    %get3A_0 = arith.constant 0 : index
    %get3A_1 = vector.load %arg1[%get3A, %get3A_0] : memref<512x256xf32, #tpu.memory_space<vmem>>, vector<512x256xf32>
    %get3A_2 = arith.constant 0 : index
    %get3A_3 = arith.constant 0 : index
    %get3A_4 = vector.load %arg3[%get3A_2, %get3A_3] : memref<128x256xf32, #tpu.memory_space<vmem>>, vector<128x256xf32>
    %dot_general3A = arith.constant dense<0.000000e+00> : vector<512x128xf32>
    %dot_general3A_5 = tpu.matmul %get3A_1, %get3A_4, %dot_general3A {dimension_numbers = #tpu.dot_dimension_numbers<[1], [1], [0], [0], [0, 0, 1, 0], [], []>, transpose_lhs_hint = false} : vector<512x256xf32>, vector<128x256xf32>, vector<512x128xf32> -> vector<512x128xf32>
    %swap3A = arith.constant 0 : index
    %swap3A_6 = arith.constant 0 : index
    %swap3A_7 = vector.load %arg6[%swap3A, %swap3A_6] : memref<512x128xf32, #tpu.memory_space<vmem>>, vector<512x128xf32>
    tpu.vector_store %arg6[%swap3A, %swap3A_6], %dot_general3A_5 {strides = array<i32>} : memref<512x128xf32, #tpu.memory_space<vmem>>, vector<512x128xf32>,
    %get3A_8 = arith.constant 0 : index
    %get3A_9 = arith.constant 0 : index
    %get3A_10 = vector.load %arg1[%get3A_8, %get3A_9] : memref<512x256xf32, #tpu.memory_space<vmem>>, vector<512x256xf32>
    %get3A_11 = arith.constant 0 : index
    %get3A_12 = arith.constant 0 : index
    %get3A_13 = vector.load %arg4[%get3A_11, %get3A_12] : memref<128x256xf32, #tpu.memory_space<vmem>>, vector<128x256xf32>
    %dot_general3A_14 = arith.constant dense<0.000000e+00> : vector<512x128xf32>
    %dot_general3A_15 = tpu.matmul %get3A_10, %get3A_13, %dot_general3A_14 {dimension_numbers = #tpu.dot_dimension_numbers<[1], [1], [0], [0], [0, 0, 1, 0], [], []>, transpose_lhs_hint = false} : vector<512x256xf32>, vector<128x256xf32>, vector<512x128xf32> -> vector<512x128xf32>
    %swap3A_16 = arith.constant 0 : index
    %swap3A_17 = arith.constant 0 : index
    %swap3A_18 = vector.load %arg7[%swap3A_16, %swap3A_17] : memref<512x128xf32, #tpu.memory_space<vmem>>, vector<512x128xf32>
    tpu.vector_store %arg7[%swap3A_16, %swap3A_17], %dot_general3A_15 {strides = array<i32>} : memref<512x128xf32, #tpu.memory_space<vmem>>, vector<512x128xf32>,
    %get3A_19 = arith.constant 0 : index
    %get3A_20 = arith.constant 0 : index
    %get3A_21 = vector.load %arg2[%get3A_19, %get3A_20] : memref<512x256xf32, #tpu.memory_space<vmem>>, vector<512x256xf32>
    %get3A_22 = arith.constant 0 : index
    %get3A_23 = arith.constant 0 : index
    %get3A_24 = vector.load %arg5[%get3A_22, %get3A_23] : memref<128x256xf32, #tpu.memory_space<vmem>>, vector<128x256xf32>
    %dot_general3A_25 = arith.constant dense<0.000000e+00> : vector<512x128xf32>
    %dot_general3A_26 = tpu.matmul %get3A_21, %get3A_24, %dot_general3A_25 {dimension_numbers = #tpu.dot_dimension_numbers<[1], [1], [0], [0], [0, 0, 1, 0], [], []>, transpose_lhs_hint = false} : vector<512x256xf32>, vector<128x256xf32>, vector<512x128xf32> -> vector<512x128xf32>
    %swap3A_27 = arith.constant 0 : index
    %swap3A_28 = arith.constant 0 : index
    %swap3A_29 = vector.load %arg8[%swap3A_27, %swap3A_28] : memref<512x128xf32, #tpu.memory_space<vmem>>, vector<512x128xf32>
    tpu.vector_store %arg8[%swap3A_27, %swap3A_28], %dot_general3A_26 {strides = array<i32>} : memref<512x128xf32, #tpu.memory_space<vmem>>, vector<512x128xf32>,
    return
  }
  func.func @transform_0(%arg0: i32) -> (i32, i32) {
    %c0_i32 = arith.constant 0 : i32
    %c0_i32_0 = arith.constant 0 : i32
    return %arg0, %c0_i32 : i32, i32
  }
  func.func @transform_1(%arg0: i32) -> (i32, i32) {
    %c0_i32 = arith.constant 0 : i32
    %c0_i32_0 = arith.constant 0 : i32
    return %arg0, %c0_i32 : i32, i32
  }
  func.func @transform_2(%arg0: i32) -> (i32, i32) {
    %c0_i32 = arith.constant 0 : i32
    %c0_i32_0 = arith.constant 0 : i32
    %c0_i32_1 = arith.constant 0 : i32
    return %c0_i32, %c0_i32_0 : i32, i32
  }
  func.func @transform_3(%arg0: i32) -> (i32, i32) {
    %c0_i32 = arith.constant 0 : i32
    %c0_i32_0 = arith.constant 0 : i32
    %c0_i32_1 = arith.constant 0 : i32
    return %c0_i32, %c0_i32_0 : i32, i32
  }
  func.func @transform_4(%arg0: i32) -> (i32, i32) {
    %c0_i32 = arith.constant 0 : i32
    %c0_i32_0 = arith.constant 0 : i32
    %c0_i32_1 = arith.constant 0 : i32
    return %c0_i32, %c0_i32_0 : i32, i32
  }
  func.func @transform_5(%arg0: i32) -> (i32, i32) {
    %c0_i32 = arith.constant 0 : i32
    %c0_i32_0 = arith.constant 0 : i32
    return %arg0, %c0_i32 : i32, i32
  }
  func.func @transform_6(%arg0: i32) -> (i32, i32) {
    %c0_i32 = arith.constant 0 : i32
    %c0_i32_0 = arith.constant 0 : i32
    return %arg0, %c0_i32 : i32, i32
  }
  func.func @transform_7(%arg0: i32) -> (i32, i32) {
    %c0_i32 = arith.constant 0 : i32
    %c0_i32_0 = arith.constant 0 : i32
    return %arg0, %c0_i32 : i32, i32
  }
}

module attributes {stable_mosaic.version = 14 : i64} {
  func.func @_cs1_body(%arg0: i32, %arg1: i32, %arg2: memref<512x512xi8, #tpu.memory_space<vmem>>, %arg3: memref<512x128xf32, #tpu.memory_space<vmem>>, %arg4: memref<512x1xf32, #tpu.memory_space<vmem>>, %arg5: memref<1x128xf32, #tpu.memory_space<vmem>>, %arg6: memref<512x128xf32, #tpu.memory_space<vmem>>, %arg7: memref<512x128xf32, #tpu.memory_space<vmem>>) attributes {dimension_semantics = [#tpu.dimension_semantics<arbitrary>, #tpu.dimension_semantics<arbitrary>], iteration_bounds = array<i64: 8, 8>, scalar_prefetch = 0 : i64, scratch_operands = 0 : i64, tpu.core_type = #tpu.core_type<tc>, window_params = [{transform_indices = @transform_0, window_bounds = array<i64: 512, 512>}, {transform_indices = @transform_1, window_bounds = array<i64: 512, 128>}, {transform_indices = @transform_2, window_bounds = array<i64: 512, 1>}, {pipeline_mode = #tpu.pipeline_mode<synchronous>, transform_indices = @transform_3, window_bounds = array<i64: 1, 128>}, {transform_indices = @transform_4, window_bounds = array<i64: 512, 128>}, {transform_indices = @transform_5, window_bounds = array<i64: 512, 128>}]} {
    %get3A = arith.constant 0 : index
    %get3A_0 = arith.constant 0 : index
    %get3A_1 = vector.load %arg2[%get3A, %get3A_0] : memref<512x512xi8, #tpu.memory_space<vmem>>, vector<512x512xi8>
    %convert_element_type3A = arith.sitofp %get3A_1 : vector<512x512xi8> to vector<512x512xf32>
    %get3A_2 = arith.constant 0 : index
    %get3A_3 = arith.constant 0 : index
    %get3A_4 = vector.load %arg3[%get3A_2, %get3A_3] : memref<512x128xf32, #tpu.memory_space<vmem>>, vector<512x128xf32>
    %dot_general3A = arith.constant dense<0.000000e+00> : vector<512x128xf32>
    %dot_general3A_5 = tpu.matmul %convert_element_type3A, %get3A_4, %dot_general3A {dimension_numbers = #tpu.dot_dimension_numbers<[1], [0], [0], [1], [0, 0, 1, 1], [], []>, transpose_lhs_hint = false} : vector<512x512xf32>, vector<512x128xf32>, vector<512x128xf32> -> vector<512x128xf32>
    %eq3A = arith.constant 0 : i32
    %eq3A_6 = arith.cmpi eq, %arg1, %eq3A : i32
    %convert_element_type3A_7 = arith.extui %eq3A_6 : i1 to i32
    %cond3A = arith.constant 0 : i32
    %cond3A_8 = arith.cmpi ne, %convert_element_type3A_7, %cond3A : i32
    scf.if %cond3A_8 {
      %swap3A = arith.constant 0 : index
      %swap3A_18 = arith.constant 0 : index
      %swap3A_19 = vector.load %arg7[%swap3A, %swap3A_18] : memref<512x128xf32, #tpu.memory_space<vmem>>, vector<512x128xf32>
      tpu.vector_store %arg7[%swap3A, %swap3A_18], %dot_general3A_5 {strides = array<i32>} : memref<512x128xf32, #tpu.memory_space<vmem>>, vector<512x128xf32>,
    } else {
    }
    %gt3A = arith.constant 0 : i32
    %gt3A_9 = arith.cmpi sgt, %arg1, %gt3A : i32
    %convert_element_type3A_10 = arith.extui %gt3A_9 : i1 to i32
    %cond3A_11 = arith.constant 0 : i32
    %cond3A_12 = arith.cmpi ne, %convert_element_type3A_10, %cond3A_11 : i32
    scf.if %cond3A_12 {
      %get3A_18 = arith.constant 0 : index
      %get3A_19 = arith.constant 0 : index
      %get3A_20 = vector.load %arg7[%get3A_18, %get3A_19] : memref<512x128xf32, #tpu.memory_space<vmem>>, vector<512x128xf32>
      %add3A = arith.addf %get3A_20, %dot_general3A_5 : vector<512x128xf32>
      %swap3A = arith.constant 0 : index
      %swap3A_21 = arith.constant 0 : index
      %swap3A_22 = vector.load %arg7[%swap3A, %swap3A_21] : memref<512x128xf32, #tpu.memory_space<vmem>>, vector<512x128xf32>
      tpu.vector_store %arg7[%swap3A, %swap3A_21], %add3A {strides = array<i32>} : memref<512x128xf32, #tpu.memory_space<vmem>>, vector<512x128xf32>,
    } else {
    }
    %eq3A_13 = arith.constant 7 : i32
    %eq3A_14 = arith.cmpi eq, %arg1, %eq3A_13 : i32
    %convert_element_type3A_15 = arith.extui %eq3A_14 : i1 to i32
    %cond3A_16 = arith.constant 0 : i32
    %cond3A_17 = arith.cmpi ne, %convert_element_type3A_15, %cond3A_16 : i32
    scf.if %cond3A_17 {
      %get3A_18 = arith.constant 0 : index
      %get3A_19 = arith.constant 0 : index
      %get3A_20 = vector.load %arg7[%get3A_18, %get3A_19] : memref<512x128xf32, #tpu.memory_space<vmem>>, vector<512x128xf32>
      %get3A_21 = arith.constant 0 : index
      %get3A_22 = arith.constant 0 : index
      %get3A_23 = vector.load %arg4[%get3A_21, %get3A_22] : memref<512x1xf32, #tpu.memory_space<vmem>>, vector<512x1xf32>
      %div3A = vector.broadcast %get3A_23 : vector<512x1xf32> to vector<512x128xf32>
      %div3A_24 = arith.divf %get3A_20, %div3A : vector<512x128xf32>
      %get3A_25 = arith.constant 0 : index
      %get3A_26 = arith.constant 0 : index
      %get3A_27 = vector.load %arg5[%get3A_25, %get3A_26] : memref<1x128xf32, #tpu.memory_space<vmem>>, vector<1x128xf32>
      %add3A = vector.broadcast %get3A_27 : vector<1x128xf32> to vector<512x128xf32>
      %add3A_28 = arith.addf %div3A_24, %add3A : vector<512x128xf32>
      %get3A_29 = arith.constant 0 : index
      %get3A_30 = arith.constant 0 : index
      %get3A_31 = vector.load %arg6[%get3A_29, %get3A_30] : memref<512x128xf32, #tpu.memory_space<vmem>>, vector<512x128xf32>
      %add3A_32 = arith.addf %add3A_28, %get3A_31 : vector<512x128xf32>
      %max3A = arith.constant 0.000000e+00 : f32
      %max3A_33 = vector.broadcast %max3A : f32 to vector<512x128xf32>
      %max3A_34 = arith.maximumf %add3A_32, %max3A_33 : vector<512x128xf32>
      %swap3A = arith.constant 0 : index
      %swap3A_35 = arith.constant 0 : index
      %swap3A_36 = vector.load %arg7[%swap3A, %swap3A_35] : memref<512x128xf32, #tpu.memory_space<vmem>>, vector<512x128xf32>
      tpu.vector_store %arg7[%swap3A, %swap3A_35], %max3A_34 {strides = array<i32>} : memref<512x128xf32, #tpu.memory_space<vmem>>, vector<512x128xf32>,
    } else {
    }
    return
  }
  func.func @transform_0(%arg0: i32, %arg1: i32) -> (i32, i32) {
    %c0_i32 = arith.constant 0 : i32
    return %arg0, %arg1 : i32, i32
  }
  func.func @transform_1(%arg0: i32, %arg1: i32) -> (i32, i32) {
    %c0_i32 = arith.constant 0 : i32
    %c0_i32_0 = arith.constant 0 : i32
    return %arg1, %c0_i32 : i32, i32
  }
  func.func @transform_2(%arg0: i32, %arg1: i32) -> (i32, i32) {
    %c0_i32 = arith.constant 0 : i32
    %c0_i32_0 = arith.constant 0 : i32
    return %arg0, %c0_i32 : i32, i32
  }
  func.func @transform_3(%arg0: i32, %arg1: i32) -> (i32, i32) {
    %c0_i32 = arith.constant 0 : i32
    %c0_i32_0 = arith.constant 0 : i32
    %c0_i32_1 = arith.constant 0 : i32
    return %c0_i32, %c0_i32_0 : i32, i32
  }
  func.func @transform_4(%arg0: i32, %arg1: i32) -> (i32, i32) {
    %c0_i32 = arith.constant 0 : i32
    %c0_i32_0 = arith.constant 0 : i32
    return %arg0, %c0_i32 : i32, i32
  }
  func.func @transform_5(%arg0: i32, %arg1: i32) -> (i32, i32) {
    %c0_i32 = arith.constant 0 : i32
    %c0_i32_0 = arith.constant 0 : i32
    return %arg0, %c0_i32 : i32, i32
  }
}

module attributes {stable_mosaic.version = 14 : i64} {
  func.func @_cs2_body(%arg0: i32, %arg1: i32, %arg2: memref<512x512xi8, #tpu.memory_space<vmem>>, %arg3: memref<512x128xf32, #tpu.memory_space<vmem>>, %arg4: memref<512x1xf32, #tpu.memory_space<vmem>>, %arg5: memref<512x128xf32, #tpu.memory_space<vmem>>, %arg6: memref<512x128xf32, #tpu.memory_space<vmem>>, %arg7: memref<1x128xf32, #tpu.memory_space<vmem>>, %arg8: memref<1x128xf32, #tpu.memory_space<vmem>>, %arg9: memref<1x128xf32, #tpu.memory_space<vmem>>, %arg10: memref<1x128xf32, #tpu.memory_space<vmem>>, %arg11: memref<512x128xf32, #tpu.memory_space<vmem>>) attributes {dimension_semantics = [#tpu.dimension_semantics<arbitrary>, #tpu.dimension_semantics<arbitrary>], iteration_bounds = array<i64: 8, 8>, scalar_prefetch = 0 : i64, scratch_operands = 0 : i64, tpu.core_type = #tpu.core_type<tc>, window_params = [{transform_indices = @transform_0, window_bounds = array<i64: 512, 512>}, {transform_indices = @transform_1, window_bounds = array<i64: 512, 128>}, {transform_indices = @transform_2, window_bounds = array<i64: 512, 1>}, {transform_indices = @transform_3, window_bounds = array<i64: 512, 128>}, {transform_indices = @transform_4, window_bounds = array<i64: 512, 128>}, {pipeline_mode = #tpu.pipeline_mode<synchronous>, transform_indices = @transform_5, window_bounds = array<i64: 1, 128>}, {pipeline_mode = #tpu.pipeline_mode<synchronous>, transform_indices = @transform_6, window_bounds = array<i64: 1, 128>}, {pipeline_mode = #tpu.pipeline_mode<synchronous>, transform_indices = @transform_7, window_bounds = array<i64: 1, 128>}, {pipeline_mode = #tpu.pipeline_mode<synchronous>, transform_indices = @transform_8, window_bounds = array<i64: 1, 128>}, {transform_indices = @transform_9, window_bounds = array<i64: 512, 128>}]} {
    %get3A = arith.constant 0 : index
    %get3A_0 = arith.constant 0 : index
    %get3A_1 = vector.load %arg2[%get3A, %get3A_0] : memref<512x512xi8, #tpu.memory_space<vmem>>, vector<512x512xi8>
    %convert_element_type3A = arith.sitofp %get3A_1 : vector<512x512xi8> to vector<512x512xf32>
    %get3A_2 = arith.constant 0 : index
    %get3A_3 = arith.constant 0 : index
    %get3A_4 = vector.load %arg3[%get3A_2, %get3A_3] : memref<512x128xf32, #tpu.memory_space<vmem>>, vector<512x128xf32>
    %dot_general3A = arith.constant dense<0.000000e+00> : vector<512x128xf32>
    %dot_general3A_5 = tpu.matmul %convert_element_type3A, %get3A_4, %dot_general3A {dimension_numbers = #tpu.dot_dimension_numbers<[1], [0], [0], [1], [0, 0, 1, 1], [], []>, transpose_lhs_hint = false} : vector<512x512xf32>, vector<512x128xf32>, vector<512x128xf32> -> vector<512x128xf32>
    %eq3A = arith.constant 0 : i32
    %eq3A_6 = arith.cmpi eq, %arg1, %eq3A : i32
    %convert_element_type3A_7 = arith.extui %eq3A_6 : i1 to i32
    %cond3A = arith.constant 0 : i32
    %cond3A_8 = arith.cmpi ne, %convert_element_type3A_7, %cond3A : i32
    scf.if %cond3A_8 {
      %swap3A = arith.constant 0 : index
      %swap3A_18 = arith.constant 0 : index
      %swap3A_19 = vector.load %arg11[%swap3A, %swap3A_18] : memref<512x128xf32, #tpu.memory_space<vmem>>, vector<512x128xf32>
      tpu.vector_store %arg11[%swap3A, %swap3A_18], %dot_general3A_5 {strides = array<i32>} : memref<512x128xf32, #tpu.memory_space<vmem>>, vector<512x128xf32>,
    } else {
    }
    %gt3A = arith.constant 0 : i32
    %gt3A_9 = arith.cmpi sgt, %arg1, %gt3A : i32
    %convert_element_type3A_10 = arith.extui %gt3A_9 : i1 to i32
    %cond3A_11 = arith.constant 0 : i32
    %cond3A_12 = arith.cmpi ne, %convert_element_type3A_10, %cond3A_11 : i32
    scf.if %cond3A_12 {
      %get3A_18 = arith.constant 0 : index
      %get3A_19 = arith.constant 0 : index
      %get3A_20 = vector.load %arg11[%get3A_18, %get3A_19] : memref<512x128xf32, #tpu.memory_space<vmem>>, vector<512x128xf32>
      %add3A = arith.addf %get3A_20, %dot_general3A_5 : vector<512x128xf32>
      %swap3A = arith.constant 0 : index
      %swap3A_21 = arith.constant 0 : index
      %swap3A_22 = vector.load %arg11[%swap3A, %swap3A_21] : memref<512x128xf32, #tpu.memory_space<vmem>>, vector<512x128xf32>
      tpu.vector_store %arg11[%swap3A, %swap3A_21], %add3A {strides = array<i32>} : memref<512x128xf32, #tpu.memory_space<vmem>>, vector<512x128xf32>,
    } else {
    }
    %eq3A_13 = arith.constant 7 : i32
    %eq3A_14 = arith.cmpi eq, %arg1, %eq3A_13 : i32
    %convert_element_type3A_15 = arith.extui %eq3A_14 : i1 to i32
    %cond3A_16 = arith.constant 0 : i32
    %cond3A_17 = arith.cmpi ne, %convert_element_type3A_15, %cond3A_16 : i32
    scf.if %cond3A_17 {
      %get3A_18 = arith.constant 0 : index
      %get3A_19 = arith.constant 0 : index
      %get3A_20 = vector.load %arg11[%get3A_18, %get3A_19] : memref<512x128xf32, #tpu.memory_space<vmem>>, vector<512x128xf32>
      %get3A_21 = arith.constant 0 : index
      %get3A_22 = arith.constant 0 : index
      %get3A_23 = vector.load %arg4[%get3A_21, %get3A_22] : memref<512x1xf32, #tpu.memory_space<vmem>>, vector<512x1xf32>
      %div3A = vector.broadcast %get3A_23 : vector<512x1xf32> to vector<512x128xf32>
      %div3A_24 = arith.divf %get3A_20, %div3A : vector<512x128xf32>
      %get3A_25 = arith.constant 0 : index
      %get3A_26 = arith.constant 0 : index
      %get3A_27 = vector.load %arg7[%get3A_25, %get3A_26] : memref<1x128xf32, #tpu.memory_space<vmem>>, vector<1x128xf32>
      %mul3A = vector.broadcast %get3A_27 : vector<1x128xf32> to vector<512x128xf32>
      %mul3A_28 = arith.mulf %div3A_24, %mul3A : vector<512x128xf32>
      %get3A_29 = arith.constant 0 : index
      %get3A_30 = arith.constant 0 : index
      %get3A_31 = vector.load %arg8[%get3A_29, %get3A_30] : memref<1x128xf32, #tpu.memory_space<vmem>>, vector<1x128xf32>
      %add3A = vector.broadcast %get3A_31 : vector<1x128xf32> to vector<512x128xf32>
      %add3A_32 = arith.addf %mul3A_28, %add3A : vector<512x128xf32>
      %get3A_33 = arith.constant 0 : index
      %get3A_34 = arith.constant 0 : index
      %get3A_35 = vector.load %arg5[%get3A_33, %get3A_34] : memref<512x128xf32, #tpu.memory_space<vmem>>, vector<512x128xf32>
      %get3A_36 = arith.constant 0 : index
      %get3A_37 = arith.constant 0 : index
      %get3A_38 = vector.load %arg9[%get3A_36, %get3A_37] : memref<1x128xf32, #tpu.memory_space<vmem>>, vector<1x128xf32>
      %mul3A_39 = vector.broadcast %get3A_38 : vector<1x128xf32> to vector<512x128xf32>
      %mul3A_40 = arith.mulf %get3A_35, %mul3A_39 : vector<512x128xf32>
      %add3A_41 = arith.addf %add3A_32, %mul3A_40 : vector<512x128xf32>
      %get3A_42 = arith.constant 0 : index
      %get3A_43 = arith.constant 0 : index
      %get3A_44 = vector.load %arg6[%get3A_42, %get3A_43] : memref<512x128xf32, #tpu.memory_space<vmem>>, vector<512x128xf32>
      %add3A_45 = arith.addf %add3A_41, %get3A_44 : vector<512x128xf32>
      %get3A_46 = arith.constant 0 : index
      %get3A_47 = arith.constant 0 : index
      %get3A_48 = vector.load %arg10[%get3A_46, %get3A_47] : memref<1x128xf32, #tpu.memory_space<vmem>>, vector<1x128xf32>
      %add3A_49 = vector.broadcast %get3A_48 : vector<1x128xf32> to vector<512x128xf32>
      %add3A_50 = arith.addf %add3A_45, %add3A_49 : vector<512x128xf32>
      %neg3A = arith.constant 0.000000e+00 : f32
      %neg3A_51 = vector.broadcast %neg3A : f32 to vector<512x128xf32>
      %neg3A_52 = arith.subf %neg3A_51, %add3A_50 : vector<512x128xf32>
      %exp3A = math.exp %neg3A_52 : vector<512x128xf32>
      %add3A_53 = arith.constant 1.000000e+00 : f32
      %add3A_54 = vector.broadcast %add3A_53 : f32 to vector<512x128xf32>
      %add3A_55 = arith.addf %add3A_54, %exp3A : vector<512x128xf32>
      %div3A_56 = arith.constant 1.000000e+00 : f32
      %div3A_57 = vector.broadcast %div3A_56 : f32 to vector<512x128xf32>
      %div3A_58 = arith.divf %div3A_57, %add3A_55 : vector<512x128xf32>
      %swap3A = arith.constant 0 : index
      %swap3A_59 = arith.constant 0 : index
      %swap3A_60 = vector.load %arg11[%swap3A, %swap3A_59] : memref<512x128xf32, #tpu.memory_space<vmem>>, vector<512x128xf32>
      tpu.vector_store %arg11[%swap3A, %swap3A_59], %div3A_58 {strides = array<i32>} : memref<512x128xf32, #tpu.memory_space<vmem>>, vector<512x128xf32>,
    } else {
    }
    return
  }
  func.func @transform_0(%arg0: i32, %arg1: i32) -> (i32, i32) {
    %c0_i32 = arith.constant 0 : i32
    return %arg0, %arg1 : i32, i32
  }
  func.func @transform_1(%arg0: i32, %arg1: i32) -> (i32, i32) {
    %c0_i32 = arith.constant 0 : i32
    %c0_i32_0 = arith.constant 0 : i32
    return %arg1, %c0_i32 : i32, i32
  }
  func.func @transform_2(%arg0: i32, %arg1: i32) -> (i32, i32) {
    %c0_i32 = arith.constant 0 : i32
    %c0_i32_0 = arith.constant 0 : i32
    return %arg0, %c0_i32 : i32, i32
  }
  func.func @transform_3(%arg0: i32, %arg1: i32) -> (i32, i32) {
    %c0_i32 = arith.constant 0 : i32
    %c0_i32_0 = arith.constant 0 : i32
    return %arg0, %c0_i32 : i32, i32
  }
  func.func @transform_4(%arg0: i32, %arg1: i32) -> (i32, i32) {
    %c0_i32 = arith.constant 0 : i32
    %c0_i32_0 = arith.constant 0 : i32
    return %arg0, %c0_i32 : i32, i32
  }
  func.func @transform_5(%arg0: i32, %arg1: i32) -> (i32, i32) {
    %c0_i32 = arith.constant 0 : i32
    %c0_i32_0 = arith.constant 0 : i32
    %c0_i32_1 = arith.constant 0 : i32
    return %c0_i32, %c0_i32_0 : i32, i32
  }
  func.func @transform_6(%arg0: i32, %arg1: i32) -> (i32, i32) {
    %c0_i32 = arith.constant 0 : i32
    %c0_i32_0 = arith.constant 0 : i32
    %c0_i32_1 = arith.constant 0 : i32
    return %c0_i32, %c0_i32_0 : i32, i32
  }
  func.func @transform_7(%arg0: i32, %arg1: i32) -> (i32, i32) {
    %c0_i32 = arith.constant 0 : i32
    %c0_i32_0 = arith.constant 0 : i32
    %c0_i32_1 = arith.constant 0 : i32
    return %c0_i32, %c0_i32_0 : i32, i32
  }
  func.func @transform_8(%arg0: i32, %arg1: i32) -> (i32, i32) {
    %c0_i32 = arith.constant 0 : i32
    %c0_i32_0 = arith.constant 0 : i32
    %c0_i32_1 = arith.constant 0 : i32
    return %c0_i32, %c0_i32_0 : i32, i32
  }
  func.func @transform_9(%arg0: i32, %arg1: i32) -> (i32, i32) {
    %c0_i32 = arith.constant 0 : i32
    %c0_i32_0 = arith.constant 0 : i32
    return %arg0, %c0_i32 : i32, i32
  }
}

</mosaic_0001>

<sc_bundles>
// kernel: kernel.19.cloned.1.call-start
scs
__scs_entry_jumppad:
0x0: {  	(pc) =	sbr.rel $0x88, $3  }
0x1: {  	(tag) =	ssettag $0x0;
	lr =	simm.s32 $0x1  }
0x2: {  	[smem:$0x3F8D] =	sst lr;
	_ =	strace $0xD0000000  }
0x3: {  	_ = 	snop  }
0x4: {  	_ = 	snop  }
0x5: {  	_ = 	snop  }
0x6: {  	_ = 	snop  }
0x7: {  	_ = 	snop  }
__scs_overlays_trampoline_lowered:
0x8: {  	[smem:$0x3F9C] =	sst s0  }
0x9: {  	[smem:$0x3F9D] =	sst s1  }
0xa: {  	[smem:$0x3F9E] =	sst s2  }
0xb: {  	[smem:$0x3F9F] =	sst s3  }
0xc: {  	[smem:$0x3FA0] =	sst s4  }
0xd: {  	[smem:$0x3FA1] =	sst s5  }
0xe: {  	[smem:$0x3FA2] =	sst s6  }
0xf: {  	[smem:$0x3FA3] =	sst s7  }
0x10: {  	[smem:$0x3FA4] =	sst s8  }
0x11: {  	[smem:$0x3FA5] =	sst s9;
	s0 =	simm.s32 @!p0 $0x0  }
0x12: {  	s1 =	sld [smem:$0x3F8B];
	s0 =	simm.s32 @p0 $0x1  }
0x13: {  	[smem:$0x3FA6] =	sst s0;
	s0 =	simm.s32 @!p1 $0x0  }
0x14: {  	s2 =	sld [smem:$0x3F8A];
	s0 =	simm.s32 @p1 $0x1  }
0x15: {  	[smem:$0x3FA7] =	sst s0;
	s0 =	simm.s32 @!p2 $0x0  }
0x16: {  	s3 =	sld [smem:$0x3FDB];
	s0 =	simm.s32 @p2 $0x1  }
0x17: {  	s4 =	simm.s32 $0x1BF5;
	[smem:$0x3FA9] =	sst s0  }
0x18: {  	s0 =	sld [smem:$0x3F8C];
	_ =	swait.ge [sflag:s4], $0x0  }
0x19: {  	s7 =	sld [smem:$0x3F8D]  }
0x1a: {  	s8 =	sadd.s32 $0xFFFFE003, lr  }
0x1b: {  	s9 =	sadd.s32 $0xFFFFFEF7, lr;
	s5 =	simm.s32 $0xFFFFFFFF;
	p2 =	slt.u32 s8, $0xFFFFF086  }
0x1c: {  	p1 =	slt.u32 s9, $0xF7A;
	s5 =	simm.s32 @!p2 $0x0  }
0x1d: {  	s5 =	simm.s32 @p1 $0x1;
	p0 =	seq.s32 s7, s2  }
0x1e: {  	s7 =	smul.u32 @!p0 $0xF7A, s2;
	p2 =	seq.s32 @!p0 s5, $0x0  }
0x1f: {  	s9 =	smul.u32 $0xF7A, s1;
	s8 =	simm.s32 @!p0 $0x1BF5;
	p2 =	por !p2, p0  }
0x20: {  	[sflag:s8] =	ssyncset.s32 @!p0 $0xFFFFF086;
	s6 =	sadd.s32 @!p0 s3, s7;
	s7 =	simm.s32 @!p0 $0x108  }
0x21: {  	s3 =	sadd.s32 s3, s9;
	s6 =	sadd.s32 @!p0 $0x88, s6;
	s7 =	simm.s32 @p2 $0x1082  }
0x22: {  	[simem:s7], [sflag:s8] =	dma.local @!p0 [hbm:s6], $0xF7A  }
0x23: {  	s9 =	sor.u32 $0xD0000000, s2;
	s6 =	simm.s32 $0x108;
	_ =	swait.ge @!p0 [sflag:s8], $0x0  }
0x24: {  	s3 =	sadd.s32 $0x88, s3;
	s6 =	simm.s32 @!p1 $0x1082;
	[sflag:s4] =	ssyncset.s32 $0xFFFFF086  }
0x25: {  	[simem:s6], [sflag:s4] =	dma.local [hbm:s3], $0xF7A  }
0x26: {  	[smem:$0x3F8D] =	sst s1;
	(tag) =	ssettag s2;
	_ =	strace s9  }
0x27: {  	s1 =	sld [smem:$0x3F9D]  }
0x28: {  	s2 =	sld [smem:$0x3F9E]  }
0x29: {  	s4 =	sld [smem:$0x3FA0]  }
0x2a: {  	p0 =	seq.s32 s5, $0x0;
	s5 =	sld [smem:$0x3FA1]  }
0x2b: {  	s6 =	sld [smem:$0x3FA2]  }
0x2c: {  	s7 =	sld [smem:$0x3FA3]  }
0x2d: {  	s3 =	simm.s32 $0x108;
	s8 =	sld [smem:$0x3FA4]  }
0x2e: {  	s3 =	simm.s32 @!p0 $0x1082;
	s9 =	sld [smem:$0x3FA5]  }
0x2f: {  	lr =	sadd.s32 s0, s3;
	s0 =	sld [smem:$0x3F9C]  }
0x30: {  	s3 =	sld [smem:$0x3F9F]  }
0x31: {  	[smem:$0x3FA8] =	sst s10  }
0x32: {  	s10 =	sld [smem:$0x3FA6];
	_ =	sdelay $0x3  }
0x33: {  	p0 =	seq.s32 s10, $0x1;
	s10 =	sld [smem:$0x3FA8];
	_ =	sdelay $0x3  }
0x34: {  	[smem:$0x3FA8] =	sst s10  }
0x35: {  	s10 =	sld [smem:$0x3FA7];
	_ =	sdelay $0x3  }
0x36: {  	p1 =	seq.s32 s10, $0x1;
	s10 =	sld [smem:$0x3FA8];
	_ =	sdelay $0x3  }
0x37: {  	[smem:$0x3FA8] =	sst s10  }
0x38: {  	s10 =	sld [smem:$0x3FA9]  }
0x39: {  	_ = 	snop;
	(pc) =	sbr.ind lr, $3  }
0x3a: {  	_ = 	snop  }
0x3b: {  	_ = 	snop  }
0x3c: {  	p2 =	seq.s32 s10, $0x1;
	s10 =	sld [smem:$0x3FA8]  }
0x3d: {  	_ =	shalt  }
0x3e: {  	_ =	shalt  }
0x3f: {  	_ =	shalt  }
0x40: {  	_ =	shalt  }
0x41: {  	_ =	shalt  }
0x42: {  	_ =	shalt  }
0x43: {  	_ =	shalt  }
0x44: {  	_ =	shalt  }
0x45: {  	_ =	shalt  }
0x46: {  	_ =	shalt  }
0x47: {  	_ =	shalt  }
0x48: {  	_ =	shalt  }
0x49: {  	_ =	shalt  }
0x4a: {  	_ =	shalt  }
0x4b: {  	_ =	shalt  }
0x4c: {  	_ =	shalt  }
0x4d: {  	_ =	shalt  }
0x4e: {  	_ =	shalt  }
0x4f: {  	_ =	shalt  }
0x50: {  	_ =	shalt  }
0x51: {  	_ =	shalt  }
0x52: {  	_ =	shalt  }
0x53: {  	_ =	shalt  }
0x54: {  	_ =	shalt  }
0x55: {  	_ =	shalt  }
0x56: {  	_ =	shalt  }
0x57: {  	_ =	shalt  }
0x58: {  	_ =	shalt  }
0x59: {  	_ =	shalt  }
0x5a: {  	_ =	shalt  }
0x5b: {  	_ =	shalt  }
0x5c: {  	_ =	shalt  }
0x5d: {  	_ =	shalt  }
0x5e: {  	_ =	shalt  }
0x5f: {  	_ =	shalt  }
0x60: {  	_ =	shalt  }
0x61: {  	_ =	shalt  }
0x62: {  	_ =	shalt  }
0x63: {  	_ =	shalt  }
0x64: {  	_ =	shalt  }
0x65: {  	_ =	shalt  }
0x66: {  	_ =	shalt  }
0x67: {  	_ =	shalt  }
0x68: {  	_ =	shalt  }
0x69: {  	_ =	shalt  }
0x6a: {  	_ =	shalt  }
0x6b: {  	_ =	shalt  }
0x6c: {  	_ =	shalt  }
0x6d: {  	_ =	shalt  }
0x6e: {  	_ =	shalt  }
0x6f: {  	_ =	shalt  }
0x70: {  	_ =	shalt  }
0x71: {  	_ =	shalt  }
0x72: {  	_ =	shalt  }
0x73: {  	_ =	shalt  }
0x74: {  	_ =	shalt  }
0x75: {  	_ =	shalt  }
0x76: {  	_ =	shalt  }
0x77: {  	_ =	shalt  }
0x78: {  	_ =	shalt  }
0x79: {  	_ =	shalt  }
0x7a: {  	_ =	shalt  }
0x7b: {  	_ =	shalt  }
0x7c: {  	_ =	shalt  }
0x7d: {  	_ =	shalt  }
0x7e: {  	_ =	shalt  }
0x7f: {  	_ =	shalt  }
0x80: {  	_ =	shalt  }
0x81: {  	_ =	shalt  }
0x82: {  	_ =	shalt  }
0x83: {  	_ =	shalt  }
0x84: {  	_ =	shalt  }
0x85: {  	_ =	shalt  }
0x86: {  	_ =	shalt  }
0x87: {  	_ =	shalt  }
.Lfunc_end0:
.L_simem_size_0:
called_computation.1_lowered:
.L_overlay_start_0:
0x88: {  	s2 =	sld [smem:$0x3FD9]  }
0x89: {  	s3 =	sld [smem:$0x3FFE];
	_ =	sdelay $0x1  }
0x8a: {  	s1 =	srdreg.scid  }
0x8b: {  	s0 =	sand.u32 $0x1, s1  }
0x8c: {  	s17 =	sshll.u32 s0, $0xA;
	s2 =	sadd.s32 s3, s2  }
0x8d: {  	s2 =	sadd.s32 s2, s17  }
0x8e: {  	[smem:$0x3FB4] =	sst s2  }
0x8f: {  	_ = 	snop  }
0x90: {  	s2 =	sld [smem:$0x3FD0];
	(tm) =	ssettm $0x1  }
0x91: {  	s18 =	sld [smem:$0x3FFB];
	_ =	sdelay $0x3  }
0x92: {  	_ =	strace s18  }
0x93: {  	s3 =	sld [smem:$0x3FFC];
	_ =	sdelay $0x3  }
0x94: {  	_ =	strace s3  }
0x95: {  	s3 =	sld [smem:$0x3FFD];
	_ =	sdelay $0x3  }
0x96: {  	_ =	strace s3  }
0x97: {  	_ =	strace $0x8FFFFFFF  }
0x98: {  	s19 =	sld [smem:$0x3FDB];
	_ =	sdelay $0x1  }
0x99: {  	s4 =	simm.s32 $_scs_section_size  }
0x9a: {  	s5 =	simm.s32 $_size__tile_overlayer_lowered;
	s6 =	simm.s32 $_tile_overlayer_lowered  }
0x9b: {  	s22 =	simm.s32 $0x1BFF;
	s21 =	sshll.u32 s6, $0x1;
	s3 =	sadd.s32 s4, s19  }
0x9c: {  	s7 =	simm.s32 $0x0;
	s20 =	sshll.u32 s5, $0x1;
	s5 =	sadd.s32 s21, s3  }
0x9d: {  	[timem:s7], [sflag:s22] =	dma.local [hbm:s5], s20  }
0x9e: {  	_ =	swait.ge [sflag:s22], s20  }
0x9f: {  	s4 =	ssub.s32 $0x0, s20;
	[sflag:s22] =	ssyncset.done $0x0  }
0xa0: {  	[sflag:s22] =	ssyncadd.s32 s4;
	_ =	sdelay $0x1  }
0xa1: {  	s23 =	simm.s32 $0x1B8B  }
0xa2: {  	_ =	swait.ge [sflag:s23], $0x1  }
0xa3: {  	[sflag:s23] =	ssyncset.done $0x0  }
0xa4: {  	s25 =	simm.s32 $0x1B8E;
	s24 =	sld [smem:$0x3FFE];
	[sflag:s23] =	ssyncadd.s32 $0xFFFFFFFF  }
0xa5: {  	s26 =	simm.s32 $execute0_lowered;
	[smem:$0x3FD2] =	sst s25  }
0xa6: {  	s5 =	sshll.u32 s26, $0x1;
	_ =	strace $0x80000049;
	[dreg:$0x1] =	wrdreg $0xFFFFFFFF  }
0xa7: {  	s28 =	simm.s32 $_size_execute0_lowered;
	s3 =	sadd.s32 s3, s5;
	[dreg:$0x0] =	wrdreg $0x0  }
0xa8: {  	s5 =	sshll.u32 s28, $0x1;
	[dreg:$0x2] =	wrdreg s3  }
0xa9: {  	[dreg:$0x3] =	wrdreg s5  }
0xaa: {  	[dreg:$0x4] =	wrdreg $0xC0  }
0xab: {  	_ =	task [dreg:s7], $0x5FFFF  }
0xac: {  	[dreg:$0x1] =	wrdreg $0xFFFFFFFF  }
0xad: {  	[dreg:$0x0] =	wrdreg $0x60  }
0xae: {  	[dreg:$0x2] =	wrdreg s24  }
0xaf: {  	[dreg:$0x3] =	wrdreg s2  }
0xb0: {  	[dreg:$0x4] =	wrdreg $0x9  }
0xb1: {  	_ =	task.clear_ibuf [dreg:s7], $0x5FFFF;
	_ =	strace $0x90000049  }
0xb2: {  	s29 =	simm.s32 $0x9;
	_ =	strace $0x8000004B  }
0xb3: {  	_ =	swait.ge [sflag:s29], $0x1  }
0xb4: {  	[sflag:s29] =	ssyncadd.s32 $0xFFFFFFFF  }
0xb5: {  	_ =	strace $0x9000004B  }
0xb6: {  	_ =	sfence  }
0xb7: {  	s30 =	sld [smem:$0x0];
	_ =	sdelay $0x2  }
0xb8: {  	s31 =	sshll.u32 s1, $0xD;
	s1 =	sshrl.u32 s1, $0x2  }
0xb9: {  	s3 =	sand.u32 $0x4000, s31;
	s1 =	sadd.s32 s1, s30  }
0xba: {  	s0 =	sor.u32 s3, s0;
	s1 =	sshll.u32 s1, $0x11  }
0xbb: {  	s0 =	sor.u32 s1, s0  }
0xbc: {  	s0 =	sadd.s32 $0x8F2B, s0  }
0xbd: {  	[sflag:s0] =	ssyncadd.remote.s32 $0x1  }
0xbe: {  	_ =	sfence.sel $0xFFFF  }
0xbf: {  	[dreg:$0x0] =	wrdreg $0xFFFFFFFF;
	(pc) =	sbr.abs _section_cstart, $3  }
0xc0: {  	[dreg:$0x1] =	wrdreg $0xFFFFFFFF  }
0xc1: {  	_ =	task.clear_ibuf [dreg:s7], $0x2FFFF;
	_ =	strace $0x9FFFFFFF  }
0xc2: {  	(tm) =	ssettm $0x7FFFFFFF  }
0xc3: {  	_ =	shalt  }
tec
execute0_lowered:
.L_overlay_start_1:
0x0: {  	(tag) =	ssettag $0x1  }
0x1: {  	s1 =	srdreg.scid;
	s5 =	rddreg [dreg:$0x0]  }
0x2: {  	s0 =	stileid.u32;
	s2 =	rddreg [dreg:$0x1]  }
0x3: {  	s3 =	simm.s32 $0x0;
	s10 =	simm.s32 $0x8080;
	s11 =	simm.s32 $0x80  }
0x4: {  	s12 =	simm.s32 $0x400;
	s4 =	sand.u32 $0x1, s1;
	s29 =	sshll.u32 s0, $0x1  }
0x5: {  	s13 =	simm.s32 $0x0;
	s30 =	sshrl.u32 s0, $0x2;
	s6 =	sor.u32 s4, s29  }
0x6: {  	s1 =	rddreg [dreg:$0x2];
	s7 =	smul.u32 $0x40400, s30;
	s8 =	sshll.u32 s6, $0x7  }
0x7: {  	[smem:$0x7FF] =	sst s3;
	s31 =	ssub.s32 $0x2, s4;
	s8 =	sand.u32 $0x380, s8  }
0x8: {  	_ =	strace $0x8000004A;
	s9 =	sshrl.u32 s31, $0x1;
	s7 =	sor.u32 s7, s8  }
0x9: {  	s4 =	sadd.s32 $0x32BE00, s5;
	s8 =	ssub.s32 s31, s9;
	s7 =	sshrl.u32 s7, $0x3  }
0xa: {  	s9 =	simm.s32 $0x1;
	s7 =	sadd.s32 s7, s5;
	s5 =	smul.u32 $0x9, s6  }
0xb: {  	v0 =	vimm.s32 $0x0;
	s6 =	sadd.s32 $0x3E00, s7;
	s7 =	smax.u32 s8, $0x1;
	s8 =	simm.s32 $0x10080  }
.LBB2_1:
0xc: {  	s14 =	simm.s32 $0x40  }
0xd: {  	[tilespmem:s14+$0xFFFFFFC0] =	vst v0  }
0xe: {  	[tilespmem:s14+$0x30] =	vst v0  }
0xf: {  	[tilespmem:s14+$0x20] =	vst v0  }
0x10: {  	[tilespmem:s14+$0x10] =	vst v0  }
0x11: {  	[tilespmem:s14+$0x0] =	vst v0  }
0x12: {  	[tilespmem:s14+$0xFFFFFFF0] =	vst v0  }
0x13: {  	s15 =	simm.s32 $0x0;
	[tilespmem:s14+$0xFFFFFFE0] =	vst v0  }
.LBB2_2:
0x14: {  	s15 =	sadd.s32 $0x8, s15;
	[tilespmem:s14+$0xFFFFFFD0] =	vst v0;
	s14 =	sadd.s32 $0x80, s14  }
0x15: {  	[tilespmem:s14+$0xFFFFFFC0] =	vst v0;
	p0 =	slt.u32 s15, $0x800  }
0x16: {  	[tilespmem:s14+$0x30] =	vst v0  }
.Ltmp0:
0x17: {  	[tilespmem:s14+$0x20] =	vst v0;
	(pc) =	sbr.rel @p0 .LBB2_2-.Ltmp0, $4  }
0x18: {  	[tilespmem:s14+$0x10] =	vst v0  }
0x19: {  	[tilespmem:s14+$0x0] =	vst v0  }
0x1a: {  	[tilespmem:s14+$0xFFFFFFF0] =	vst v0  }
0x1b: {  	[tilespmem:s14+$0xFFFFFFE0] =	vst v0  }
0x1c: {  	[tilespmem:s14+$0xFFFFFFD0] =	vst v0;
	s14 =	simm.s32 $0x0  }
0x1d: {  	[tilespmem:s8], [sflag:$0x1] =	stream.linear.gather [hbm4b:s2+s14], $0x80, $0x38;
	[tilespmem:$0x10100] =	vst v63  }
0x1e: {  	_ =	swait.ge [sflag:s9], $0x80  }
0x1f: {  	[sflag:s9] =	ssyncset.done $0x0  }
0x20: {  	[sflag:s9] =	ssyncadd.s32 $0xFFFFFF80  }
0x21: {  	v1 =	vld [tilespmem:$0x10080]  }
.LBB2_4:
0x22: {  	s15 =	sadd.s32 s5, s14  }
0x23: {  	s16 =	sshll.u32 s15, $0xC  }
0x24: {  	s16 =	sadd.s32 s4, s16  }
0x25: {  	[tilespmem:s10], [sflag:$0x1] =	stream.linear.gather [hbm4b:s16+s3], $0x8000, $0x38;
	[tilespmem:$0x10100] =	vst v63  }
0x26: {  	_ =	swait.ge [sflag:s9], $0x8000  }
0x27: {  	[sflag:s9] =	ssyncset.done $0x0  }
0x28: {  	s31 =	simm.s32 $0x80C0;
	[sflag:s9] =	ssyncadd.s32 $0xFFFF8000  }
0x29: {  	v2 =	vld [tilespmem:s31+$0x30]  }
0x2a: {  	v3 =	vld [tilespmem:s31+$0xFFFFFFD0]  }
0x2b: {  	v4 =	vld [tilespmem:s31+$0xFFFFFFE0]  }
0x2c: {  	v5 =	vld [tilespmem:s31+$0xFFFFFFF0]  }
0x2d: {  	v6 =	vld [tilespmem:s31+$0x0]  }
0x2e: {  	v7 =	vld [tilespmem:s31+$0x10];
	_ =	sdelay $0x1  }
0x2f: {  	p0 =	slt.u32 s15, $0x40;
	s15 =	simm.s32 $0x1  }
0x30: {  	s15 =	simm.s32 @!p0 $0x2;
	v8 =	vsub.s32 v2, v1  }
0x31: {  	v2 =	vmov s15;
	v3 =	vsub.s32 v3, v1;
	v4 =	vsub.s32 v4, v1  }
0x32: {  	v9 =	vld [tilespmem:s31+$0x20];
	v5 =	vsub.s32 v5, v1;
	v6 =	vsub.s32 v6, v1;
	v7 =	vsub.s32 v7, v1  }
0x33: {  	v11 =	vld [tilespmem:s31+$0xFFFFFFC0];
	v10 =	vshra.s32 v8, $0xF;
	v8 =	vshra.s32 v8, $0x1F;
	v12 =	vshra.s32 v3, $0xF  }
0x34: {  	v3 =	vshra.s32 v3, $0x1F;
	v14 =	vshra.s32 v5, $0xF;
	v8 =	vor.u32 v8, v10  }
0x35: {  	v5 =	vshra.s32 v5, $0x1F;
	v15 =	vshra.s32 v6, $0x1F;
	vm0 =	vlt.s32 v8, $0x8000  }
0x36: {  	v16 =	vshra.s32 v7, $0xF;
	v17 =	vshra.s32 v7, $0x1F;
	v8 =	vnsel vm0, $0x8000, v8  }
0x37: {  	v10 =	vshra.s32 v4, $0xF;
	v4 =	vshra.s32 v4, $0x1F;
	v13 =	vadd.s32 $0x1, v8  }
0x38: {  	v8 =	vsub.s32 v9, v1;
	v9 =	vsub.s32 v11, v1;
	v11 =	vshra.s32 v6, $0xF  }
0x39: {  	v6 =	vshra.s32 v9, $0xF;
	v9 =	vshra.s32 v9, $0x1F;
	v18 =	vshra.s32 v8, $0xF  }
0x3a: {  	v19 =	vshra.s32 v8, $0x1F;
	v8 =	vor.u32 v3, v12;
	v7 =	vor.u32 v9, v6  }
0x3b: {  	v9 =	vor.u32 v4, v10;
	v6 =	vor.u32 v5, v14;
	v4 =	vor.u32 v15, v11  }
0x3c: {  	v5 =	vor.u32 v17, v16;
	v3 =	vor.u32 v19, v18;
	vm3 =	vlt.s32 v8, $0x8000  }
0x3d: {  	s16 =	simm.s32 $0x8140;
	s15 =	simm.s32 $0x0;
	vm0 =	vlt.s32 v7, $0x8000;
	vm2 =	vlt.s32 v9, $0x8000;
	vm1 =	vlt.s32 v6, $0x8000;
	[tilespmem:v13+s3+$0x0] =	vst.idx.add.s32.msk $0xffff, v2  }
.LBB2_5:
0x3e: {  	v10 =	vld [tilespmem:s16+$0x30];
	s15 =	sadd.s32 $0x8, s15;
	vm4 =	vlt.s32 v4, $0x8000;
	vm5 =	vlt.s32 v5, $0x8000;
	vm6 =	vlt.s32 v3, $0x8000  }
0x3f: {  	v7 =	vnsel vm0, $0x8000, v7;
	v8 =	vnsel vm3, $0x8000, v8;
	v9 =	vnsel vm2, $0x8000, v9;
	v11 =	vld [tilespmem:s16+$0xFFFFFFD0];
	p0 =	slt.u32 s15, $0x7F8  }
0x40: {  	v6 =	vnsel vm1, $0x8000, v6;
	v4 =	vnsel vm4, $0x8000, v4;
	v5 =	vnsel vm5, $0x8000, v5;
	v12 =	vld [tilespmem:s16+$0xFFFFFFE0]  }
0x41: {  	v7 =	vadd.s32 $0x1, v7;
	v8 =	vadd.s32 $0x1, v8;
	v3 =	vnsel vm6, $0x8000, v3;
	v13 =	vld [tilespmem:s16+$0xFFFFFFF0]  }
0x42: {  	v9 =	vadd.s32 $0x1, v9;
	v6 =	vadd.s32 $0x1, v6;
	v4 =	vadd.s32 $0x1, v4;
	v14 =	vld [tilespmem:s16+$0x0]  }
0x43: {  	v5 =	vadd.s32 $0x1, v5;
	v3 =	vadd.s32 $0x1, v3;
	v15 =	vld [tilespmem:s16+$0x10];
	v10 =	vsub.s32 v10, v1  }
0x44: {  	v11 =	vsub.s32 v11, v1;
	v16 =	vld [tilespmem:s16+$0x20];
	v17 =	vshra.s32 v10, $0xF;
	v10 =	vshra.s32 v10, $0x1F  }
0x45: {  	v18 =	vld [tilespmem:s16+$0xFFFFFFC0];
	v19 =	vshra.s32 v11, $0xF;
	v12 =	vsub.s32 v12, v1;
	v10 =	vor.u32 v10, v17  }
0x46: {  	v11 =	vshra.s32 v11, $0x1F;
	v13 =	vsub.s32 v13, v1;
	vm0 =	vlt.s32 v10, $0x8000;
	[tilespmem:v7+s3+$0x0] =	vst.idx.add.s32.msk $0xffff, v2  }
0x47: {  	v17 =	vshra.s32 v12, $0xF;
	v7 =	vsub.s32 v14, v1;
	v10 =	vnsel vm0, $0x8000, v10;
	[tilespmem:v8+s3+$0x0] =	vst.idx.add.s32.msk $0xffff, v2  }
0x48: {  	v12 =	vshra.s32 v12, $0x1F;
	v8 =	vsub.s32 v15, v1;
	v10 =	vadd.s32 $0x1, v10;
	[tilespmem:v9+s3+$0x0] =	vst.idx.add.s32.msk $0xffff, v2  }
0x49: {  	v14 =	vshra.s32 v13, $0xF;
	v13 =	vshra.s32 v13, $0x1F;
	v9 =	vsub.s32 v16, v1;
	[tilespmem:v6+s3+$0x0] =	vst.idx.add.s32.msk $0xffff, v2  }
0x4a: {  	v15 =	vshra.s32 v7, $0xF;
	v16 =	vshra.s32 v7, $0x1F;
	v6 =	vsub.s32 v18, v1;
	[tilespmem:v4+s3+$0x0] =	vst.idx.add.s32.msk $0xffff, v2  }
0x4b: {  	v18 =	vshra.s32 v8, $0xF;
	v4 =	vshra.s32 v6, $0xF;
	v6 =	vshra.s32 v6, $0x1F;
	[tilespmem:v5+s3+$0x0] =	vst.idx.add.s32.msk $0xffff, v2  }
.Ltmp1:
0x4c: {  	v20 =	vshra.s32 v9, $0xF;
	v21 =	vshra.s32 v9, $0x1F;
	v5 =	vshra.s32 v8, $0x1F;
	[tilespmem:v3+s3+$0x0] =	vst.idx.add.s32.msk $0xffff, v2;
	(pc) =	sbr.rel @p0 .LBB2_5-.Ltmp1, $4  }
0x4d: {  	v8 =	vor.u32 v11, v19;
	v7 =	vor.u32 v6, v4;
	[tilespmem:v10+s3+$0x0] =	vst.idx.add.s32.msk $0xffff, v2  }
0x4e: {  	v9 =	vor.u32 v12, v17;
	v6 =	vor.u32 v13, v14;
	v4 =	vor.u32 v16, v15  }
0x4f: {  	v5 =	vor.u32 v5, v18;
	v3 =	vor.u32 v21, v20;
	vm0 =	vlt.s32 v7, $0x8000  }
0x50: {  	s16 =	sadd.s32 $0x80, s16;
	vm2 =	vlt.s32 v9, $0x8000;
	vm3 =	vlt.s32 v8, $0x8000;
	vm1 =	vlt.s32 v6, $0x8000  }
0x51: {  	v7 =	vnsel vm0, $0x8000, v7  }
0x52: {  	v8 =	vnsel vm3, $0x8000, v8;
	v7 =	vadd.s32 $0x1, v7  }
0x53: {  	v9 =	vnsel vm2, $0x8000, v9;
	v8 =	vadd.s32 $0x1, v8  }
0x54: {  	vm13 =	vlt.s32 v4, $0x8000;
	v6 =	vnsel vm1, $0x8000, v6;
	v9 =	vadd.s32 $0x1, v9  }
0x55: {  	vm14 =	vlt.s32 v5, $0x8000;
	v4 =	vnsel vm13, $0x8000, v4;
	v6 =	vadd.s32 $0x1, v6  }
0x56: {  	vm15 =	vlt.s32 v3, $0x8000;
	v5 =	vnsel vm14, $0x8000, v5;
	v4 =	vadd.s32 $0x1, v4  }
0x57: {  	s14 =	sadd.s32 $0x1, s14;
	v3 =	vnsel vm15, $0x8000, v3;
	v5 =	vadd.s32 $0x1, v5;
	[tilespmem:v7+s3+$0x0] =	vst.idx.add.s32.msk $0xffff, v2  }
0x58: {  	p0 =	sne.s32 s14, $0x9;
	v3 =	vadd.s32 $0x1, v3;
	[tilespmem:v8+s3+$0x0] =	vst.idx.add.s32.msk $0xffff, v2  }
.Ltmp2:
0x59: {  	[tilespmem:v9+s3+$0x0] =	vst.idx.add.s32.msk $0xffff, v2;
	(pc) =	sbr.rel @p0 .LBB2_4-.Ltmp2, $4  }
0x5a: {  	[tilespmem:v6+s3+$0x0] =	vst.idx.add.s32.msk $0xffff, v2  }
0x5b: {  	[tilespmem:v4+s3+$0x0] =	vst.idx.add.s32.msk $0xffff, v2  }
0x5c: {  	[tilespmem:v5+s3+$0x0] =	vst.idx.add.s32.msk $0xffff, v2  }
0x5d: {  	[tilespmem:v3+s3+$0x0] =	vst.idx.add.s32.msk $0xffff, v2  }
0x5e: {  	s13 =	sadd.s32 $0x1, s13  }
0x5f: {  	p0 =	sne.s32 s13, s7  }
.Ltmp3:
0x60: {  	_ = 	snop;
	(pc) =	sbr.rel @p0 .LBB2_1-.Ltmp3, $4  }
0x61: {  	[hbm4b:s6+s11] =	stream.strided.scatter [tilespmem:s3], [sflag:$0x1], $0x8080, s12, s11, $0x38;
	[tilespmem:$0x10100] =	vst v63  }
0x62: {  	_ =	swait.ge [sflag:s9], $0x8080  }
0x63: {  	[sflag:s9] =	ssyncset.done $0x0  }
0x64: {  	[sflag:s9] =	ssyncadd.s32 $0xFFFF7F80  }
0x65: {  	_ =	sfence.sel $0x180000  }
0x66: {  	[bflag:$0x0] =	sbarrier.arrive $0xFFFF  }
0x67: {  	p0 =	sne.s32 s0, $0x0;
	_ =	strace $0x9000004A  }
0x68: {  	s0 =	sadd.s32 @!p0 $0x100000, s1;
	[bflag:$0x2] =	sbarrier.arrive $0xFFFF  }
0x69: {  	[sflag:s0] =	ssyncadd.tile.s32 @!p0 $0x1;
	_ =	shalt  }
.Lfunc_end2:
_tile_overlayer_lowered:
.L_overlay_start_2:
0x6a: {  	(tag) =	ssettag $0x2  }
0x6b: {  	s0 =	rddreg [dreg:$0x0];
	s2 =	stileid.u32  }
0x6c: {  	s1 =	rddreg [dreg:$0x1];
	p0 =	sne.s32 s2, $0x0  }
0x6d: {  	s3 =	rddreg [dreg:$0x2];
	[bflag:$0x3] =	sbarrier.arrive $0xFFFF;
	s2 =	simm.s32 @!p0 $0x1C01  }
0x6e: {  	[timem:s3], [sflag:s2] =	dma.local @!p0 [hbm:s0], s1  }
0x6f: {  	s0 =	simm.s32 @!p0 $0x1  }
0x70: {  	_ =	swait.ge @!p0 [sflag:s0], s1  }
0x71: {  	s1 =	ssub.s32 @!p0 $0x0, s1;
	[sflag:s0] =	ssyncset.done @!p0 $0x0  }
0x72: {  	[sflag:s0] =	ssyncadd.s32 @!p0 s1  }
0x73: {  	[bflag:$0x3] =	sbarrier.arrive $0xFFFF  }
0x74: {  	_ =	shalt  }

// kernel: kernel.22.cloned.1.call-start
scs
__scs_entry_jumppad:
0x0: {  	(pc) =	sbr.rel $0x88, $3  }
0x1: {  	(tag) =	ssettag $0x0;
	lr =	simm.s32 $0x1  }
0x2: {  	[smem:$0x3F8D] =	sst lr;
	_ =	strace $0xD0000000  }
0x3: {  	_ = 	snop  }
0x4: {  	_ = 	snop  }
0x5: {  	_ = 	snop  }
0x6: {  	_ = 	snop  }
0x7: {  	_ = 	snop  }
__scs_overlays_trampoline_lowered:
0x8: {  	[smem:$0x3F9C] =	sst s0  }
0x9: {  	[smem:$0x3F9D] =	sst s1  }
0xa: {  	[smem:$0x3F9E] =	sst s2  }
0xb: {  	[smem:$0x3F9F] =	sst s3  }
0xc: {  	[smem:$0x3FA0] =	sst s4  }
0xd: {  	[smem:$0x3FA1] =	sst s5  }
0xe: {  	[smem:$0x3FA2] =	sst s6  }
0xf: {  	[smem:$0x3FA3] =	sst s7  }
0x10: {  	[smem:$0x3FA4] =	sst s8  }
0x11: {  	[smem:$0x3FA5] =	sst s9;
	s0 =	simm.s32 @!p0 $0x0  }
0x12: {  	s1 =	sld [smem:$0x3F8B];
	s0 =	simm.s32 @p0 $0x1  }
0x13: {  	[smem:$0x3FA6] =	sst s0;
	s0 =	simm.s32 @!p1 $0x0  }
0x14: {  	s2 =	sld [smem:$0x3F8A];
	s0 =	simm.s32 @p1 $0x1  }
0x15: {  	[smem:$0x3FA7] =	sst s0;
	s0 =	simm.s32 @!p2 $0x0  }
0x16: {  	s3 =	sld [smem:$0x3FDB];
	s0 =	simm.s32 @p2 $0x1  }
0x17: {  	s4 =	simm.s32 $0x1BF5;
	[smem:$0x3FA9] =	sst s0  }
0x18: {  	s0 =	sld [smem:$0x3F8C];
	_ =	swait.ge [sflag:s4], $0x0  }
0x19: {  	s7 =	sld [smem:$0x3F8D]  }
0x1a: {  	s8 =	sadd.s32 $0xFFFFE003, lr  }
0x1b: {  	s9 =	sadd.s32 $0xFFFFFEF7, lr;
	s5 =	simm.s32 $0xFFFFFFFF;
	p2 =	slt.u32 s8, $0xFFFFF086  }
0x1c: {  	p1 =	slt.u32 s9, $0xF7A;
	s5 =	simm.s32 @!p2 $0x0  }
0x1d: {  	s5 =	simm.s32 @p1 $0x1;
	p0 =	seq.s32 s7, s2  }
0x1e: {  	s7 =	smul.u32 @!p0 $0xF7A, s2;
	p2 =	seq.s32 @!p0 s5, $0x0  }
0x1f: {  	s9 =	smul.u32 $0xF7A, s1;
	s8 =	simm.s32 @!p0 $0x1BF5;
	p2 =	por !p2, p0  }
0x20: {  	[sflag:s8] =	ssyncset.s32 @!p0 $0xFFFFF086;
	s6 =	sadd.s32 @!p0 s3, s7;
	s7 =	simm.s32 @!p0 $0x108  }
0x21: {  	s3 =	sadd.s32 s3, s9;
	s6 =	sadd.s32 @!p0 $0x88, s6;
	s7 =	simm.s32 @p2 $0x1082  }
0x22: {  	[simem:s7], [sflag:s8] =	dma.local @!p0 [hbm:s6], $0xF7A  }
0x23: {  	s9 =	sor.u32 $0xD0000000, s2;
	s6 =	simm.s32 $0x108;
	_ =	swait.ge @!p0 [sflag:s8], $0x0  }
0x24: {  	s3 =	sadd.s32 $0x88, s3;
	s6 =	simm.s32 @!p1 $0x1082;
	[sflag:s4] =	ssyncset.s32 $0xFFFFF086  }
0x25: {  	[simem:s6], [sflag:s4] =	dma.local [hbm:s3], $0xF7A  }
0x26: {  	[smem:$0x3F8D] =	sst s1;
	(tag) =	ssettag s2;
	_ =	strace s9  }
0x27: {  	s1 =	sld [smem:$0x3F9D]  }
0x28: {  	s2 =	sld [smem:$0x3F9E]  }
0x29: {  	s4 =	sld [smem:$0x3FA0]  }
0x2a: {  	p0 =	seq.s32 s5, $0x0;
	s5 =	sld [smem:$0x3FA1]  }
0x2b: {  	s6 =	sld [smem:$0x3FA2]  }
0x2c: {  	s7 =	sld [smem:$0x3FA3]  }
0x2d: {  	s3 =	simm.s32 $0x108;
	s8 =	sld [smem:$0x3FA4]  }
0x2e: {  	s3 =	simm.s32 @!p0 $0x1082;
	s9 =	sld [smem:$0x3FA5]  }
0x2f: {  	lr =	sadd.s32 s0, s3;
	s0 =	sld [smem:$0x3F9C]  }
0x30: {  	s3 =	sld [smem:$0x3F9F]  }
0x31: {  	[smem:$0x3FA8] =	sst s10  }
0x32: {  	s10 =	sld [smem:$0x3FA6];
	_ =	sdelay $0x3  }
0x33: {  	p0 =	seq.s32 s10, $0x1;
	s10 =	sld [smem:$0x3FA8];
	_ =	sdelay $0x3  }
0x34: {  	[smem:$0x3FA8] =	sst s10  }
0x35: {  	s10 =	sld [smem:$0x3FA7];
	_ =	sdelay $0x3  }
0x36: {  	p1 =	seq.s32 s10, $0x1;
	s10 =	sld [smem:$0x3FA8];
	_ =	sdelay $0x3  }
0x37: {  	[smem:$0x3FA8] =	sst s10  }
0x38: {  	s10 =	sld [smem:$0x3FA9]  }
0x39: {  	_ = 	snop;
	(pc) =	sbr.ind lr, $3  }
0x3a: {  	_ = 	snop  }
0x3b: {  	_ = 	snop  }
0x3c: {  	p2 =	seq.s32 s10, $0x1;
	s10 =	sld [smem:$0x3FA8]  }
0x3d: {  	_ =	shalt  }
0x3e: {  	_ =	shalt  }
0x3f: {  	_ =	shalt  }
0x40: {  	_ =	shalt  }
0x41: {  	_ =	shalt  }
0x42: {  	_ =	shalt  }
0x43: {  	_ =	shalt  }
0x44: {  	_ =	shalt  }
0x45: {  	_ =	shalt  }
0x46: {  	_ =	shalt  }
0x47: {  	_ =	shalt  }
0x48: {  	_ =	shalt  }
0x49: {  	_ =	shalt  }
0x4a: {  	_ =	shalt  }
0x4b: {  	_ =	shalt  }
0x4c: {  	_ =	shalt  }
0x4d: {  	_ =	shalt  }
0x4e: {  	_ =	shalt  }
0x4f: {  	_ =	shalt  }
0x50: {  	_ =	shalt  }
0x51: {  	_ =	shalt  }
0x52: {  	_ =	shalt  }
0x53: {  	_ =	shalt  }
0x54: {  	_ =	shalt  }
0x55: {  	_ =	shalt  }
0x56: {  	_ =	shalt  }
0x57: {  	_ =	shalt  }
0x58: {  	_ =	shalt  }
0x59: {  	_ =	shalt  }
0x5a: {  	_ =	shalt  }
0x5b: {  	_ =	shalt  }
0x5c: {  	_ =	shalt  }
0x5d: {  	_ =	shalt  }
0x5e: {  	_ =	shalt  }
0x5f: {  	_ =	shalt  }
0x60: {  	_ =	shalt  }
0x61: {  	_ =	shalt  }
0x62: {  	_ =	shalt  }
0x63: {  	_ =	shalt  }
0x64: {  	_ =	shalt  }
0x65: {  	_ =	shalt  }
0x66: {  	_ =	shalt  }
0x67: {  	_ =	shalt  }
0x68: {  	_ =	shalt  }
0x69: {  	_ =	shalt  }
0x6a: {  	_ =	shalt  }
0x6b: {  	_ =	shalt  }
0x6c: {  	_ =	shalt  }
0x6d: {  	_ =	shalt  }
0x6e: {  	_ =	shalt  }
0x6f: {  	_ =	shalt  }
0x70: {  	_ =	shalt  }
0x71: {  	_ =	shalt  }
0x72: {  	_ =	shalt  }
0x73: {  	_ =	shalt  }
0x74: {  	_ =	shalt  }
0x75: {  	_ =	shalt  }
0x76: {  	_ =	shalt  }
0x77: {  	_ =	shalt  }
0x78: {  	_ =	shalt  }
0x79: {  	_ =	shalt  }
0x7a: {  	_ =	shalt  }
0x7b: {  	_ =	shalt  }
0x7c: {  	_ =	shalt  }
0x7d: {  	_ =	shalt  }
0x7e: {  	_ =	shalt  }
0x7f: {  	_ =	shalt  }
0x80: {  	_ =	shalt  }
0x81: {  	_ =	shalt  }
0x82: {  	_ =	shalt  }
0x83: {  	_ =	shalt  }
0x84: {  	_ =	shalt  }
0x85: {  	_ =	shalt  }
0x86: {  	_ =	shalt  }
0x87: {  	_ =	shalt  }
.Lfunc_end0:
.L_simem_size_0:
called_computation.2_lowered:
.L_overlay_start_0:
0x88: {  	s2 =	sld [smem:$0x3FD9]  }
0x89: {  	s3 =	sld [smem:$0x3FFE];
	_ =	sdelay $0x1  }
0x8a: {  	s1 =	srdreg.scid  }
0x8b: {  	s0 =	sand.u32 $0x1, s1  }
0x8c: {  	s17 =	sshll.u32 s0, $0xA;
	s2 =	sadd.s32 s3, s2  }
0x8d: {  	s2 =	sadd.s32 s2, s17  }
0x8e: {  	[smem:$0x3FB4] =	sst s2  }
0x8f: {  	_ = 	snop  }
0x90: {  	s2 =	sld [smem:$0x3FD0];
	(tm) =	ssettm $0x1  }
0x91: {  	s18 =	sld [smem:$0x3FFB];
	_ =	sdelay $0x3  }
0x92: {  	_ =	strace s18  }
0x93: {  	s3 =	sld [smem:$0x3FFC];
	_ =	sdelay $0x3  }
0x94: {  	_ =	strace s3  }
0x95: {  	s3 =	sld [smem:$0x3FFD];
	_ =	sdelay $0x3  }
0x96: {  	_ =	strace s3  }
0x97: {  	_ =	strace $0x8FFFFFFF  }
0x98: {  	s19 =	sld [smem:$0x3FDB];
	_ =	sdelay $0x1  }
0x99: {  	s4 =	simm.s32 $_scs_section_size  }
0x9a: {  	s5 =	simm.s32 $_size__tile_overlayer_lowered;
	s6 =	simm.s32 $_tile_overlayer_lowered  }
0x9b: {  	s22 =	simm.s32 $0x1BFF;
	s21 =	sshll.u32 s6, $0x1;
	s3 =	sadd.s32 s4, s19  }
0x9c: {  	s7 =	simm.s32 $0x0;
	s20 =	sshll.u32 s5, $0x1;
	s5 =	sadd.s32 s21, s3  }
0x9d: {  	[timem:s7], [sflag:s22] =	dma.local [hbm:s5], s20  }
0x9e: {  	_ =	swait.ge [sflag:s22], s20  }
0x9f: {  	s4 =	ssub.s32 $0x0, s20;
	[sflag:s22] =	ssyncset.done $0x0  }
0xa0: {  	[sflag:s22] =	ssyncadd.s32 s4;
	_ =	sdelay $0x1  }
0xa1: {  	s23 =	simm.s32 $0x1B8B  }
0xa2: {  	_ =	swait.ge [sflag:s23], $0x1  }
0xa3: {  	[sflag:s23] =	ssyncset.done $0x0  }
0xa4: {  	s25 =	simm.s32 $0x1B8E;
	s24 =	sld [smem:$0x3FFE];
	[sflag:s23] =	ssyncadd.s32 $0xFFFFFFFF  }
0xa5: {  	s26 =	simm.s32 $execute0_lowered;
	[smem:$0x3FD2] =	sst s25  }
0xa6: {  	s5 =	sshll.u32 s26, $0x1;
	_ =	strace $0x8000004C;
	[dreg:$0x1] =	wrdreg $0xFFFFFFFF  }
0xa7: {  	s28 =	simm.s32 $_size_execute0_lowered;
	s3 =	sadd.s32 s3, s5;
	[dreg:$0x0] =	wrdreg $0x0  }
0xa8: {  	s5 =	sshll.u32 s28, $0x1;
	[dreg:$0x2] =	wrdreg s3  }
0xa9: {  	[dreg:$0x3] =	wrdreg s5  }
0xaa: {  	[dreg:$0x4] =	wrdreg $0xC0  }
0xab: {  	_ =	task [dreg:s7], $0x5FFFF  }
0xac: {  	[dreg:$0x1] =	wrdreg $0xFFFFFFFF  }
0xad: {  	[dreg:$0x0] =	wrdreg $0x60  }
0xae: {  	[dreg:$0x2] =	wrdreg s24  }
0xaf: {  	[dreg:$0x3] =	wrdreg s2  }
0xb0: {  	[dreg:$0x4] =	wrdreg $0x9  }
0xb1: {  	_ =	task.clear_ibuf [dreg:s7], $0x5FFFF;
	_ =	strace $0x9000004C  }
0xb2: {  	s29 =	simm.s32 $0x9;
	_ =	strace $0x8000004E  }
0xb3: {  	_ =	swait.ge [sflag:s29], $0x1  }
0xb4: {  	[sflag:s29] =	ssyncadd.s32 $0xFFFFFFFF  }
0xb5: {  	_ =	strace $0x9000004E  }
0xb6: {  	_ =	sfence  }
0xb7: {  	s30 =	sld [smem:$0x0];
	_ =	sdelay $0x2  }
0xb8: {  	s31 =	sshll.u32 s1, $0xD;
	s1 =	sshrl.u32 s1, $0x2  }
0xb9: {  	s3 =	sand.u32 $0x4000, s31;
	s1 =	sadd.s32 s1, s30  }
0xba: {  	s0 =	sor.u32 s3, s0;
	s1 =	sshll.u32 s1, $0x11  }
0xbb: {  	s0 =	sor.u32 s1, s0  }
0xbc: {  	s0 =	sadd.s32 $0x8F2B, s0  }
0xbd: {  	[sflag:s0] =	ssyncadd.remote.s32 $0x1  }
0xbe: {  	_ =	sfence.sel $0xFFFF  }
0xbf: {  	[dreg:$0x0] =	wrdreg $0xFFFFFFFF;
	(pc) =	sbr.abs _section_cstart, $3  }
0xc0: {  	[dreg:$0x1] =	wrdreg $0xFFFFFFFF  }
0xc1: {  	_ =	task.clear_ibuf [dreg:s7], $0x2FFFF;
	_ =	strace $0x9FFFFFFF  }
0xc2: {  	(tm) =	ssettm $0x7FFFFFFF  }
0xc3: {  	_ =	shalt  }
tec
execute0_lowered:
.L_overlay_start_1:
0x0: {  	(tag) =	ssettag $0x1  }
0x1: {  	s1 =	srdreg.scid;
	s5 =	rddreg [dreg:$0x0]  }
0x2: {  	s0 =	stileid.u32;
	s2 =	rddreg [dreg:$0x1]  }
0x3: {  	s3 =	simm.s32 $0x0;
	s10 =	simm.s32 $0x8080;
	s11 =	simm.s32 $0x80  }
0x4: {  	s12 =	simm.s32 $0x400;
	s4 =	sand.u32 $0x1, s1;
	s29 =	sshll.u32 s0, $0x1  }
0x5: {  	s13 =	simm.s32 $0x0;
	s30 =	sshrl.u32 s0, $0x2;
	s6 =	sor.u32 s4, s29  }
0x6: {  	s1 =	rddreg [dreg:$0x2];
	s7 =	smul.u32 $0x40400, s30;
	s8 =	sshll.u32 s6, $0x7  }
0x7: {  	[smem:$0x7FF] =	sst s3;
	s31 =	ssub.s32 $0x2, s4;
	s8 =	sand.u32 $0x380, s8  }
0x8: {  	_ =	strace $0x8000004D;
	s9 =	sshrl.u32 s31, $0x1;
	s7 =	sor.u32 s7, s8  }
0x9: {  	s4 =	sadd.s32 $0x32BE00, s5;
	s8 =	ssub.s32 s31, s9;
	s7 =	sshrl.u32 s7, $0x3  }
0xa: {  	s9 =	simm.s32 $0x1;
	s7 =	sadd.s32 s7, s5;
	s5 =	smul.u32 $0x9, s6  }
0xb: {  	v0 =	vimm.s32 $0x0;
	s6 =	sadd.s32 $0x3E00, s7;
	s7 =	smax.u32 s8, $0x1;
	s8 =	simm.s32 $0x10080  }
.LBB2_1:
0xc: {  	s14 =	simm.s32 $0x40  }
0xd: {  	[tilespmem:s14+$0xFFFFFFC0] =	vst v0  }
0xe: {  	[tilespmem:s14+$0x30] =	vst v0  }
0xf: {  	[tilespmem:s14+$0x20] =	vst v0  }
0x10: {  	[tilespmem:s14+$0x10] =	vst v0  }
0x11: {  	[tilespmem:s14+$0x0] =	vst v0  }
0x12: {  	[tilespmem:s14+$0xFFFFFFF0] =	vst v0  }
0x13: {  	s15 =	simm.s32 $0x0;
	[tilespmem:s14+$0xFFFFFFE0] =	vst v0  }
.LBB2_2:
0x14: {  	s15 =	sadd.s32 $0x8, s15;
	[tilespmem:s14+$0xFFFFFFD0] =	vst v0;
	s14 =	sadd.s32 $0x80, s14  }
0x15: {  	[tilespmem:s14+$0xFFFFFFC0] =	vst v0;
	p0 =	slt.u32 s15, $0x800  }
0x16: {  	[tilespmem:s14+$0x30] =	vst v0  }
.Ltmp0:
0x17: {  	[tilespmem:s14+$0x20] =	vst v0;
	(pc) =	sbr.rel @p0 .LBB2_2-.Ltmp0, $4  }
0x18: {  	[tilespmem:s14+$0x10] =	vst v0  }
0x19: {  	[tilespmem:s14+$0x0] =	vst v0  }
0x1a: {  	[tilespmem:s14+$0xFFFFFFF0] =	vst v0  }
0x1b: {  	[tilespmem:s14+$0xFFFFFFE0] =	vst v0  }
0x1c: {  	[tilespmem:s14+$0xFFFFFFD0] =	vst v0;
	s14 =	simm.s32 $0x0  }
0x1d: {  	[tilespmem:s8], [sflag:$0x1] =	stream.linear.gather [hbm4b:s2+s14], $0x80, $0x38;
	[tilespmem:$0x10100] =	vst v63  }
0x1e: {  	_ =	swait.ge [sflag:s9], $0x80  }
0x1f: {  	[sflag:s9] =	ssyncset.done $0x0  }
0x20: {  	[sflag:s9] =	ssyncadd.s32 $0xFFFFFF80  }
0x21: {  	v1 =	vld [tilespmem:$0x10080];
	_ =	sdelay $0x4  }
0x22: {  	v1 =	vsub.s32 $0x1, v1  }
.LBB2_4:
0x23: {  	s15 =	sadd.s32 s5, s14  }
0x24: {  	s16 =	sshll.u32 s15, $0xC  }
0x25: {  	s16 =	sadd.s32 s4, s16  }
0x26: {  	[tilespmem:s10], [sflag:$0x1] =	stream.linear.gather [hbm4b:s16+s3], $0x8000, $0x38;
	[tilespmem:$0x10100] =	vst v63  }
0x27: {  	_ =	swait.ge [sflag:s9], $0x8000  }
0x28: {  	[sflag:s9] =	ssyncset.done $0x0  }
0x29: {  	s31 =	simm.s32 $0x80C0;
	[sflag:s9] =	ssyncadd.s32 $0xFFFF8000  }
0x2a: {  	v2 =	vld [tilespmem:s31+$0x30]  }
0x2b: {  	v3 =	vld [tilespmem:s31+$0xFFFFFFD0]  }
0x2c: {  	v4 =	vld [tilespmem:s31+$0xFFFFFFE0]  }
0x2d: {  	v5 =	vld [tilespmem:s31+$0xFFFFFFF0]  }
0x2e: {  	v6 =	vld [tilespmem:s31+$0x0]  }
0x2f: {  	v7 =	vld [tilespmem:s31+$0x10]  }
0x30: {  	v10 =	vld [tilespmem:s31+$0xFFFFFFC0]  }
0x31: {  	p0 =	slt.u32 s15, $0x40;
	s15 =	simm.s32 $0x1  }
0x32: {  	s15 =	simm.s32 @!p0 $0x2;
	v8 =	vadd.s32 v1, v2  }
0x33: {  	v2 =	vmov s15;
	v3 =	vadd.s32 v1, v3;
	v4 =	vadd.s32 v1, v4  }
0x34: {  	v9 =	vld [tilespmem:s31+$0x20];
	v5 =	vadd.s32 v1, v5;
	v6 =	vadd.s32 v1, v6;
	v7 =	vadd.s32 v1, v7  }
0x35: {  	v10 =	vadd.s32 v1, v10;
	vm0 =	vgt.s32 v8, $0x0;
	vm1 =	vgt.s32 v3, $0x0  }
0x36: {  	vm11 =	vgt.s32 v4, $0x0;
	vm12 =	vgt.s32 v5, $0x0;
	v8 =	vnsel vm0, $0x0, v8  }
0x37: {  	vm13 =	vgt.s32 v6, $0x0;
	vm14 =	vgt.s32 v7, $0x0;
	v11 =	vmin.u32 v8, $0x8001  }
0x38: {  	vm2 =	vgt.s32 v10, $0x0;
	v3 =	vnsel vm1, $0x0, v3;
	v4 =	vnsel vm11, $0x0, v4  }
0x39: {  	v5 =	vnsel vm12, $0x0, v5;
	v12 =	vnsel vm13, $0x0, v6;
	v8 =	vadd.s32 v1, v9  }
0x3a: {  	v9 =	vnsel vm14, $0x0, v7;
	v7 =	vnsel vm2, $0x0, v10;
	v6 =	vmin.u32 v3, $0x8001  }
0x3b: {  	v4 =	vmin.u32 v4, $0x8001;
	v5 =	vmin.u32 v5, $0x8001;
	vm15 =	vgt.s32 v8, $0x0  }
0x3c: {  	s16 =	simm.s32 $0x8140;
	s15 =	simm.s32 $0x0;
	v3 =	vmin.u32 v12, $0x8001;
	v7 =	vmin.u32 v7, $0x8001;
	v8 =	vnsel vm15, $0x0, v8;
	[tilespmem:v11+s3+$0x0] =	vst.idx.add.s32.msk $0xffff, v2  }
.LBB2_5:
0x3d: {  	v10 =	vld [tilespmem:s16+$0x30];
	s15 =	sadd.s32 $0x8, s15;
	v11 =	vmin.u32 v9, $0x8001;
	v12 =	vmin.u32 v8, $0x8001  }
0x3e: {  	v8 =	vld [tilespmem:s16+$0xFFFFFFD0];
	p0 =	slt.u32 s15, $0x7F8  }
0x3f: {  	v9 =	vld [tilespmem:s16+$0xFFFFFFE0]  }
0x40: {  	v13 =	vld [tilespmem:s16+$0xFFFFFFF0]  }
0x41: {  	v14 =	vld [tilespmem:s16+$0x0]  }
0x42: {  	v15 =	vld [tilespmem:s16+$0x10];
	v10 =	vadd.s32 v1, v10  }
0x43: {  	v8 =	vadd.s32 v1, v8;
	v16 =	vld [tilespmem:s16+$0x20];
	vm0 =	vgt.s32 v10, $0x0  }
0x44: {  	v17 =	vld [tilespmem:s16+$0xFFFFFFC0];
	vm1 =	vgt.s32 v8, $0x0;
	v9 =	vadd.s32 v1, v9;
	v10 =	vnsel vm0, $0x0, v10  }
0x45: {  	vm0 =	vgt.s32 v9, $0x0;
	v13 =	vadd.s32 v1, v13;
	v10 =	vmin.u32 v10, $0x8001;
	[tilespmem:v7+s3+$0x0] =	vst.idx.add.s32.msk $0xffff, v2  }
0x46: {  	v7 =	vnsel vm1, $0x0, v8;
	vm1 =	vgt.s32 v13, $0x0;
	v8 =	vadd.s32 v1, v14;
	[tilespmem:v6+s3+$0x0] =	vst.idx.add.s32.msk $0xffff, v2  }
0x47: {  	v14 =	vnsel vm0, $0x0, v9;
	vm0 =	vgt.s32 v8, $0x0;
	v6 =	vadd.s32 v1, v15;
	[tilespmem:v4+s3+$0x0] =	vst.idx.add.s32.msk $0xffff, v2  }
.Ltmp1:
0x48: {  	v13 =	vnsel vm1, $0x0, v13;
	vm1 =	vgt.s32 v6, $0x0;
	v4 =	vadd.s32 v1, v16;
	[tilespmem:v5+s3+$0x0] =	vst.idx.add.s32.msk $0xffff, v2;
	(pc) =	sbr.rel @p0 .LBB2_5-.Ltmp1, $4  }
0x49: {  	v15 =	vnsel vm0, $0x0, v8;
	v5 =	vadd.s32 v1, v17;
	vm0 =	vgt.s32 v4, $0x0;
	[tilespmem:v3+s3+$0x0] =	vst.idx.add.s32.msk $0xffff, v2  }
0x4a: {  	v9 =	vnsel vm1, $0x0, v6;
	vm2 =	vgt.s32 v5, $0x0;
	v8 =	vnsel vm0, $0x0, v4;
	[tilespmem:v10+s3+$0x0] =	vst.idx.add.s32.msk $0xffff, v2  }
0x4b: {  	v6 =	vmin.u32 v7, $0x8001;
	v4 =	vmin.u32 v14, $0x8001;
	v3 =	vnsel vm2, $0x0, v5;
	[tilespmem:v11+s3+$0x0] =	vst.idx.add.s32.msk $0xffff, v2  }
0x4c: {  	s16 =	sadd.s32 $0x80, s16;
	v5 =	vmin.u32 v13, $0x8001;
	v7 =	vmin.u32 v3, $0x8001;
	v3 =	vmin.u32 v15, $0x8001;
	[tilespmem:v12+s3+$0x0] =	vst.idx.add.s32.msk $0xffff, v2  }
0x4d: {  	_ =	sdelay $0x3  }
0x4e: {  	v9 =	vmin.u32 v9, $0x8001;
	[tilespmem:v7+s3+$0x0] =	vst.idx.add.s32.msk $0xffff, v2;
	s14 =	sadd.s32 $0x1, s14  }
0x4f: {  	v63 =	vmin.u32 v8, $0x8001;
	[tilespmem:v6+s3+$0x0] =	vst.idx.add.s32.msk $0xffff, v2;
	p0 =	sne.s32 s14, $0x9  }
.Ltmp2:
0x50: {  	[tilespmem:v4+s3+$0x0] =	vst.idx.add.s32.msk $0xffff, v2;
	(pc) =	sbr.rel @p0 .LBB2_4-.Ltmp2, $4  }
0x51: {  	[tilespmem:v5+s3+$0x0] =	vst.idx.add.s32.msk $0xffff, v2  }
0x52: {  	[tilespmem:v3+s3+$0x0] =	vst.idx.add.s32.msk $0xffff, v2  }
0x53: {  	[tilespmem:v9+s3+$0x0] =	vst.idx.add.s32.msk $0xffff, v2  }
0x54: {  	[tilespmem:v63+s3+$0x0] =	vst.idx.add.s32.msk $0xffff, v2  }
0x55: {  	s13 =	sadd.s32 $0x1, s13  }
0x56: {  	p0 =	sne.s32 s13, s7  }
.Ltmp3:
0x57: {  	_ = 	snop;
	(pc) =	sbr.rel @p0 .LBB2_1-.Ltmp3, $4  }
0x58: {  	[hbm4b:s6+s11] =	stream.strided.scatter [tilespmem:s3], [sflag:$0x1], $0x8080, s12, s11, $0x38;
	[tilespmem:$0x10100] =	vst v63  }
0x59: {  	_ =	swait.ge [sflag:s9], $0x8080  }
0x5a: {  	[sflag:s9] =	ssyncset.done $0x0  }
0x5b: {  	[sflag:s9] =	ssyncadd.s32 $0xFFFF7F80  }
0x5c: {  	_ =	sfence.sel $0x180000  }
0x5d: {  	[bflag:$0x0] =	sbarrier.arrive $0xFFFF  }
0x5e: {  	p0 =	sne.s32 s0, $0x0;
	_ =	strace $0x9000004D  }
0x5f: {  	s0 =	sadd.s32 @!p0 $0x100000, s1;
	[bflag:$0x2] =	sbarrier.arrive $0xFFFF  }
0x60: {  	[sflag:s0] =	ssyncadd.tile.s32 @!p0 $0x1;
	_ =	shalt  }
.Lfunc_end2:
_tile_overlayer_lowered:
.L_overlay_start_2:
0x61: {  	(tag) =	ssettag $0x2  }
0x62: {  	s0 =	rddreg [dreg:$0x0];
	s2 =	stileid.u32  }
0x63: {  	s1 =	rddreg [dreg:$0x1];
	p0 =	sne.s32 s2, $0x0  }
0x64: {  	s3 =	rddreg [dreg:$0x2];
	[bflag:$0x3] =	sbarrier.arrive $0xFFFF;
	s2 =	simm.s32 @!p0 $0x1C01  }
0x65: {  	[timem:s3], [sflag:s2] =	dma.local @!p0 [hbm:s0], s1  }
0x66: {  	s0 =	simm.s32 @!p0 $0x1  }
0x67: {  	_ =	swait.ge @!p0 [sflag:s0], s1  }
0x68: {  	s1 =	ssub.s32 @!p0 $0x0, s1;
	[sflag:s0] =	ssyncset.done @!p0 $0x0  }
0x69: {  	[sflag:s0] =	ssyncadd.s32 @!p0 s1  }
0x6a: {  	[bflag:$0x3] =	sbarrier.arrive $0xFFFF  }
0x6b: {  	_ =	shalt  }

// kernel: sparse-core-data-format-call.cloned.1.call-start
scs
called_computation_lowered:
.L_overlay_start_0:
0x0: {  	s1 =	sld [smem:$0x3FD9]  }
0x1: {  	s2 =	sld [smem:$0x3FFE];
	_ =	sdelay $0x1  }
0x2: {  	s3 =	srdreg.scid  }
0x3: {  	s0 =	sand.u32 $0x1, s3  }
0x4: {  	s17 =	sshll.u32 s0, $0xA;
	s1 =	sadd.s32 s2, s1  }
0x5: {  	s1 =	sadd.s32 s1, s17  }
0x6: {  	[smem:$0x3FB4] =	sst s1  }
0x7: {  	_ = 	snop  }
0x8: {  	(tm) =	ssettm $0x1  }
0x9: {  	s18 =	sld [smem:$0x3FFB];
	_ =	sdelay $0x3  }
0xa: {  	_ =	strace s18  }
0xb: {  	s1 =	sld [smem:$0x3FFC];
	_ =	sdelay $0x3  }
0xc: {  	_ =	strace s1  }
0xd: {  	s1 =	sld [smem:$0x3FFD];
	_ =	sdelay $0x3  }
0xe: {  	_ =	strace s1  }
0xf: {  	_ =	strace $0x8FFFFFFF  }
0x10: {  	s19 =	sld [smem:$0x3FDB];
	_ =	sdelay $0x1  }
0x11: {  	s20 =	simm.s32 $_scs_section_size  }
0x12: {  	s4 =	simm.s32 $_size__tile_overlayer_lowered;
	s5 =	simm.s32 $_tile_overlayer_lowered  }
0x13: {  	s23 =	simm.s32 $0x1BFF;
	s22 =	sshll.u32 s5, $0x1;
	s1 =	sadd.s32 s20, s19  }
0x14: {  	s6 =	simm.s32 $0x0;
	s21 =	sshll.u32 s4, $0x1;
	s4 =	sadd.s32 s22, s1  }
0x15: {  	[timem:s6], [sflag:s23] =	dma.local [hbm:s4], s21  }
0x16: {  	_ =	swait.ge [sflag:s23], s21  }
0x17: {  	s2 =	ssub.s32 $0x0, s21;
	[sflag:s23] =	ssyncset.done $0x0  }
0x18: {  	[sflag:s23] =	ssyncadd.s32 s2;
	_ =	sdelay $0x1  }
0x19: {  	s24 =	simm.s32 $0x1B8B  }
0x1a: {  	_ =	swait.ge [sflag:s24], $0x1  }
0x1b: {  	[sflag:s24] =	ssyncset.done $0x0  }
0x1c: {  	s26 =	simm.s32 $0x1B8E;
	s25 =	sld [smem:$0x3FFE];
	[sflag:s24] =	ssyncadd.s32 $0xFFFFFFFF  }
0x1d: {  	s27 =	simm.s32 $execute0_lowered;
	[smem:$0x3FD2] =	sst s26  }
0x1e: {  	s4 =	sshll.u32 s27, $0x1;
	_ =	strace $0x80000046;
	[dreg:$0x1] =	wrdreg $0xFFFFFFFF  }
0x1f: {  	s28 =	simm.s32 $_size_execute0_lowered;
	s1 =	sadd.s32 s1, s4;
	[dreg:$0x0] =	wrdreg $0x0  }
0x20: {  	s4 =	sshll.u32 s28, $0x1;
	[dreg:$0x2] =	wrdreg s1  }
0x21: {  	[dreg:$0x3] =	wrdreg s4  }
0x22: {  	[dreg:$0x4] =	wrdreg $0xC0  }
0x23: {  	_ =	task [dreg:s6], $0x5FFFF  }
0x24: {  	[dreg:$0x1] =	wrdreg $0xFFFFFFFF  }
0x25: {  	[dreg:$0x0] =	wrdreg $0x60  }
0x26: {  	[dreg:$0x2] =	wrdreg s25  }
0x27: {  	[dreg:$0x3] =	wrdreg $0x9  }
0x28: {  	_ =	task.clear_ibuf [dreg:s6], $0x4FFFF;
	_ =	strace $0x90000046  }
0x29: {  	s29 =	simm.s32 $0x9;
	_ =	strace $0x80000048  }
0x2a: {  	_ =	swait.ge [sflag:s29], $0x1  }
0x2b: {  	[sflag:s29] =	ssyncadd.s32 $0xFFFFFFFF  }
0x2c: {  	_ =	strace $0x90000048  }
0x2d: {  	_ =	sfence  }
0x2e: {  	s30 =	sld [smem:$0x0];
	_ =	sdelay $0x2  }
0x2f: {  	s31 =	sshll.u32 s3, $0xD;
	s3 =	sshrl.u32 s3, $0x2  }
0x30: {  	s2 =	sand.u32 $0x4000, s31;
	s1 =	sadd.s32 s3, s30  }
0x31: {  	s0 =	sor.u32 s2, s0;
	s1 =	sshll.u32 s1, $0x11  }
0x32: {  	s0 =	sor.u32 s1, s0  }
0x33: {  	s0 =	sadd.s32 $0x8F2B, s0  }
0x34: {  	[sflag:s0] =	ssyncadd.remote.s32 $0x1  }
0x35: {  	_ =	sfence.sel $0xFFFF  }
0x36: {  	[dreg:$0x0] =	wrdreg $0xFFFFFFFF;
	(pc) =	sbr.abs _section_cstart, $3  }
0x37: {  	[dreg:$0x1] =	wrdreg $0xFFFFFFFF  }
0x38: {  	_ =	task.clear_ibuf [dreg:s6], $0x2FFFF;
	_ =	strace $0x9FFFFFFF  }
0x39: {  	(tm) =	ssettm $0x7FFFFFFF  }
tec
execute0_lowered:
.L_overlay_start_1:
0x0: {  	(tag) =	ssettag $0x1  }
0x1: {  	s0 =	srdreg.scid  }
0x2: {  	s1 =	sshll.u32 s0, $0x4  }
0x3: {  	s4 =	rddreg [dreg:$0x0];
	s0 =	stileid.u32;
	s1 =	sand.u32 $0x10, s1  }
0x4: {  	s7 =	simm.s32 $0x1;
	s8 =	simm.s32 $0x2;
	s1 =	sor.u32 s0, s1  }
0x5: {  	s9 =	simm.s32 $0x0;
	s12 =	simm.s32 $0x0;
	s2 =	sshll.u32 s1, $0x2  }
0x6: {  	s11 =	simm.s32 $0x0;
	s3 =	sadd.s32 $0x3E00, s4;
	s6 =	ssub.s32 $0x940, s2  }
.Ltmp0:
0x7: {  	s4 =	sadd.s32 $0x32BE00, s4;
	s5 =	sand.u32 $0x7C, s6;
	(pc) =	sbr.rel .LBB1_1-.Ltmp0, $4  }
0x8: {  	s1 =	rddreg [dreg:$0x1];
	_ =	strace $0x80000047;
	p0 =	sne.s32 s5, $0x0  }
0x9: {  	s6 =	sshrl.u32 s6, $0x7;
	s5 =	simm.s32 $0x1;
	s7 =	simm.s32 @!p0 $0x0  }
0xa: {  	s10 =	smov.u32 s2;
	[sflag:s5] =	ssyncpa.u1 $0x0;
	s6 =	sadd.s32 s7, s6  }
0xb: {  	[sflag:s8] =	ssyncpa.u1 $0x0;
	s8 =	simm.s32 $0x0;
	s7 =	sadd.s32 $0x1, s6  }
.LBB1_9:
0xc: {  	s14 =	sadd.s32 $0x80, s10  }
0xd: {  	p1 =	sgt.s32 s14, $0x93F  }
0xe: {  	s14 =	smov.u32 @p1 s2;
	p1 =	sne.s32 s11, s7  }
.Ltmp1:
0xf: {  	p0 =	slt.u32 s11, $0x2;
	(pc) =	sbr.rel @!p1 .LBB1_10-.Ltmp1, $4  }
0x10: {  	s13 =	simm.s32 @!p0 $0x2  }
0x11: {  	s15 =	sadd.s32 $0x1, s11;
	_ =	swait.ge @!p0 [sflag:s13], $0x4000  }
0x12: {  	s12 =	smov.u32 s10;
	s9 =	sadd.s32 $0x4000, s9;
	[sflag:s13] =	ssyncset.done @!p0 $0x0  }
0x13: {  	s11 =	smov.u32 s15;
	s10 =	smov.u32 s14;
	[sflag:s13] =	ssyncadd.s32 @!p0 $0xFFFFC000  }
.LBB1_1:
0x14: {  	p0 =	sge.u32 s11, s6  }
0x15: {  	s13 =	sxor.u32 @!p0 $0xFFFFFFFF, s11  }
0x16: {  	s31 =	sadd.s32 $0xFFFFFFFF, s11;
	s14 =	sshll.u32 @!p0 s10, $0x9;
	s13 =	sshll.u32 @!p0 s13, $0xE  }
0x17: {  	s15 =	simm.s32 @!p0 $0x0;
	s14 =	sadd.s32 @!p0 s3, s14;
	s13 =	sand.u32 @!p0 $0x4000, s13  }
0x18: {  	[tilespmem:s13], [sflag:$0x1] =	stream.linear.gather @!p0 [hbm4b:s14+s15], $0x4000, $0x38;
	[tilespmem:$0x10000] =	vst v63  }
0x19: {  	p0 =	sge.u32 s31, s6  }
.Ltmp2:
0x1a: {  	_ = 	snop;
	(pc) =	sbr.rel @p0 .LBB1_9-.Ltmp2, $1  }
0x1b: {  	_ =	sdelay $0x3  }
0x1c: {  	s14 =	sand.u32 $0x4000, s9  }
0x1d: {  	_ =	swait.ge [sflag:s5], $0x4000;
	s15 =	sshll.u32 s11, $0xE;
	s16 =	simm.s32 $0x0  }
0x1e: {  	s13 =	sor.u32 $0x40, s14;
	[sflag:s5] =	ssyncset.done $0x0;
	s15 =	sand.u32 $0x4000, s15  }
0x1f: {  	s14 =	sor.u32 $0x8040, s14;
	[sflag:s5] =	ssyncadd.s32 $0xFFFFC000;
	s15 =	sor.u32 $0x8000, s15  }
.LBB1_3:
0x20: {  	s17 =	smov.u32 s14;
	s18 =	smov.u32 s13;
	s19 =	simm.s32 $0x0  }
.LBB1_4:
0x21: {  	v0 =	vmov s17;
	v2 =	vld [tilespmem:s18+$0x30]  }
0x22: {  	v4 =	vld [tilespmem:s18+$0xFFFFFFD0]  }
0x23: {  	v6 =	vld [tilespmem:s18+$0xFFFFFFE0]  }
0x24: {  	v7 =	vld [tilespmem:s18+$0xFFFFFFF0]  }
0x25: {  	s20 =	simm.s32 $0x0;
	v1 =	vld [tilespmem:s18+$0x0]  }
0x26: {  	v3 =	vld [tilespmem:s18+$0x10];
	[tilespmem:v0+s20+$0x30 ss:$0x1] =	vst.idx.msk $0xffff, v2  }
0x27: {  	v5 =	vld [tilespmem:s18+$0x20];
	[tilespmem:v0+s20+$0xFFFFFFD0 ss:$0x1] =	vst.idx.msk $0xffff, v4  }
0x28: {  	s21 =	sadd.s32 $0x80, s18;
	v2 =	vld [tilespmem:s18+$0xFFFFFFC0];
	[tilespmem:v0+s20+$0xFFFFFFE0 ss:$0x1] =	vst.idx.msk $0xffff, v6  }
0x29: {  	s22 =	simm.s32 $0x800;
	s23 =	simm.s32 $0x1000;
	v4 =	vld [tilespmem:s21+$0x30];
	[tilespmem:v0+s20+$0xFFFFFFF0 ss:$0x1] =	vst.idx.msk $0xffff, v7  }
.LBB1_5:
0x2a: {  	p0 =	sne.s32 s23, $0x3800;
	v6 =	vld [tilespmem:s21+$0xFFFFFFD0];
	[tilespmem:v0+s20+$0x0 ss:$0x1] =	vst.idx.msk $0xffff, v1  }
0x2b: {  	v7 =	vld [tilespmem:s21+$0xFFFFFFE0];
	[tilespmem:v0+s20+$0x10 ss:$0x1] =	vst.idx.msk $0xffff, v3  }
0x2c: {  	v8 =	vld [tilespmem:s21+$0xFFFFFFF0];
	[tilespmem:v0+s20+$0x20 ss:$0x1] =	vst.idx.msk $0xffff, v5  }
.Ltmp3:
0x2d: {  	v1 =	vld [tilespmem:s21+$0x0];
	[tilespmem:v0+s20+$0xFFFFFFC0 ss:$0x1] =	vst.idx.msk $0xffff, v2;
	s20 =	sshra.s32 s22, $0x2;
	s22 =	smov.u32 s23;
	(pc) =	sbr.rel @p0 .LBB1_5-.Ltmp3, $4  }
0x2e: {  	v3 =	vld [tilespmem:s21+$0x10];
	[tilespmem:v0+s20+$0x30 ss:$0x1] =	vst.idx.msk $0xffff, v4  }
0x2f: {  	[tilespmem:v0+s20+$0xFFFFFFD0 ss:$0x1] =	vst.idx.msk $0xffff, v6;
	v5 =	vld [tilespmem:s21+$0x20]  }
0x30: {  	v2 =	vld [tilespmem:s21+$0xFFFFFFC0];
	[tilespmem:v0+s20+$0xFFFFFFE0 ss:$0x1] =	vst.idx.msk $0xffff, v7;
	s21 =	sadd.s32 $0x80, s21  }
0x31: {  	s23 =	sadd.s32 $0x800, s23;
	v4 =	vld [tilespmem:s21+$0x30];
	[tilespmem:v0+s20+$0xFFFFFFF0 ss:$0x1] =	vst.idx.msk $0xffff, v8  }
0x32: {  	_ =	sdelay $0x3  }
0x33: {  	v6 =	vld [tilespmem:s21+$0xFFFFFFD0];
	[tilespmem:v0+s20+$0x0 ss:$0x1] =	vst.idx.msk $0xffff, v1  }
0x34: {  	v58 =	vld [tilespmem:s21+$0xFFFFFFE0];
	[tilespmem:v0+s20+$0x10 ss:$0x1] =	vst.idx.msk $0xffff, v3  }
0x35: {  	v59 =	vld [tilespmem:s21+$0xFFFFFFF0];
	[tilespmem:v0+s20+$0x20 ss:$0x1] =	vst.idx.msk $0xffff, v5  }
0x36: {  	s22 =	sshra.s32 s22, $0x2;
	v60 =	vld [tilespmem:s21+$0x0];
	[tilespmem:v0+s20+$0xFFFFFFC0 ss:$0x1] =	vst.idx.msk $0xffff, v2  }
0x37: {  	v61 =	vld [tilespmem:s21+$0x10];
	[tilespmem:v0+s22+$0x30 ss:$0x1] =	vst.idx.msk $0xffff, v4  }
0x38: {  	v62 =	vld [tilespmem:s21+$0x20];
	s19 =	sadd.s32 $0x1, s19;
	[tilespmem:v0+s22+$0xFFFFFFD0 ss:$0x1] =	vst.idx.msk $0xffff, v6  }
0x39: {  	v63 =	vld [tilespmem:s21+$0xFFFFFFC0];
	p0 =	sne.s32 s19, $0x4;
	[tilespmem:v0+s22+$0xFFFFFFE0 ss:$0x1] =	vst.idx.msk $0xffff, v58  }
.Ltmp4:
0x3a: {  	[tilespmem:v0+s22+$0xFFFFFFF0 ss:$0x1] =	vst.idx.msk $0xffff, v59;
	(pc) =	sbr.rel @p0 .LBB1_4-.Ltmp4, $4  }
0x3b: {  	[tilespmem:v0+s22+$0x0 ss:$0x1] =	vst.idx.msk $0xffff, v60  }
0x3c: {  	[tilespmem:v0+s22+$0x10 ss:$0x1] =	vst.idx.msk $0xffff, v61  }
0x3d: {  	[tilespmem:v0+s22+$0x20 ss:$0x1] =	vst.idx.msk $0xffff, v62  }
0x3e: {  	s18 =	sadd.s32 $0x400, s18;
	s17 =	sadd.s32 $0x80, s17;
	[tilespmem:v0+s22+$0xFFFFFFC0 ss:$0x1] =	vst.idx.msk $0xffff, v63  }
0x3f: {  	s16 =	sadd.s32 $0x1, s16  }
0x40: {  	p0 =	sne.s32 s16, $0x4  }
.Ltmp5:
0x41: {  	_ = 	snop;
	(pc) =	sbr.rel @p0 .LBB1_3-.Ltmp5, $2  }
0x42: {  	_ =	sdelay $0x2  }
0x43: {  	s13 =	sadd.s32 $0x1000, s13;
	s14 =	sadd.s32 $0x1000, s14  }
.Ltmp6:
0x44: {  	(pc) =	sbr.rel .LBB1_9-.Ltmp6, $4  }
0x45: {  	_ = 	snop  }
0x46: {  	s12 =	sshll.u32 s12, $0x9  }
0x47: {  	s12 =	sadd.s32 s4, s12  }
0x48: {  	[hbm4b:s12+s8] =	stream.linear.scatter [tilespmem:s15], [sflag:$0x2], $0x4000, $0x38;
	[tilespmem:$0x10000] =	vst v63  }
.LBB1_10:
0x49: {  	_ =	sfence.sel $0x180000  }
0x4a: {  	s2 =	simm.s32 $0x1;
	[bflag:$0x0] =	sbarrier.arrive $0xFFFF  }
0x4b: {  	s31 =	simm.s32 $0x2;
	[sflag:s2] =	ssyncpa.u1 $0x1  }
0x4c: {  	[sflag:s31] =	ssyncpa.u1 $0x1  }
0x4d: {  	p0 =	sne.s32 s0, $0x0;
	_ =	strace $0x90000047  }
0x4e: {  	s0 =	sadd.s32 @!p0 $0x100000, s1;
	[bflag:$0x2] =	sbarrier.arrive $0xFFFF  }
0x4f: {  	[sflag:s0] =	ssyncadd.tile.s32 @!p0 $0x1;
	_ =	shalt  }
.Lfunc_end1:
_tile_overlayer_lowered:
.L_overlay_start_2:
0x50: {  	(tag) =	ssettag $0x2  }
0x51: {  	s0 =	rddreg [dreg:$0x0];
	s2 =	stileid.u32  }
0x52: {  	s1 =	rddreg [dreg:$0x1];
	p0 =	sne.s32 s2, $0x0  }
0x53: {  	s3 =	rddreg [dreg:$0x2];
	[bflag:$0x3] =	sbarrier.arrive $0xFFFF;
	s2 =	simm.s32 @!p0 $0x1C01  }
0x54: {  	[timem:s3], [sflag:s2] =	dma.local @!p0 [hbm:s0], s1  }
0x55: {  	s0 =	simm.s32 @!p0 $0x1  }
0x56: {  	_ =	swait.ge @!p0 [sflag:s0], s1  }
0x57: {  	s1 =	ssub.s32 @!p0 $0x0, s1;
	[sflag:s0] =	ssyncset.done @!p0 $0x0  }
0x58: {  	[sflag:s0] =	ssyncadd.s32 @!p0 s1  }
0x59: {  	[bflag:$0x3] =	sbarrier.arrive $0xFFFF  }
0x5a: {  	_ =	shalt  }

</sc_bundles>
